<compile_context>
chip_gen: v7x
topology: tpu7x:2x2x1
jax: 0.10.2.dev20260603
libtpu: 0.0.44.dev20260713+nightly
codegen_flags: <defaults>
</compile_context>

<pallas_src>
import functools

import jax
import jax.numpy as jnp
from jax import lax
from jax.experimental import pallas as pl
from jax.experimental.pallas import tpu as pltpu
from jax.experimental.pallas import tpu_sc as plsc

NC = 2
NS = 16
NW = NC * NS
CH = 128


def _make_deg(n_pad, e_pad):
    epw = e_pad // NW
    n_chunks = epw // CH
    rpw = n_pad // NS
    mesh = plsc.VectorSubcoreMesh(core_axis_name="c", subcore_axis_name="s",
                                  num_cores=NC, num_subcores=NS)

    @functools.partial(
        pl.kernel,
        out_type=jax.ShapeDtypeStruct((NC, n_pad, 16), jnp.float32),
        mesh=mesh,
        scratch_types=[
            pltpu.VMEM((CH,), jnp.int32),
            pltpu.VMEM((CH, 16), jnp.float32),
            pltpu.VMEM_SHARED((n_pad, 16), jnp.float32),
        ],
        compiler_params=pltpu.CompilerParams(use_tc_tiling_on_sc=False),
    )
    def deg(dst_hbm, ones_hbm, zeros_hbm, out_hbm, didx, ones_v, acc):
        cid = lax.axis_index("c")
        sid = lax.axis_index("s")
        wid = sid * NC + cid
        pltpu.sync_copy(ones_hbm, ones_v)
        pltpu.sync_copy(zeros_hbm, acc.at[pl.ds(sid * rpw, rpw)])
        plsc.subcore_barrier()

        def body(i, carry):
            base = wid * epw + i * CH
            pltpu.sync_copy(dst_hbm.at[pl.ds(base, CH)], didx)
            pltpu.sync_copy(ones_v, acc.at[didx], add=True)
            return carry

        lax.fori_loop(0, n_chunks, body, 0)
        plsc.subcore_barrier()
        pltpu.sync_copy(acc.at[pl.ds(sid * rpw, rpw)],
                        out_hbm.at[cid, pl.ds(sid * rpw, rpw)])

    return deg


def _make_agg(n_pad, f, e_pad):
    epw = e_pad // NW
    n_chunks = epw // CH
    rpw = n_pad // NS
    mesh = plsc.VectorSubcoreMesh(core_axis_name="c", subcore_axis_name="s",
                                  num_cores=NC, num_subcores=NS)

    @functools.partial(
        pl.kernel,
        out_type=jax.ShapeDtypeStruct((NC, n_pad, f), jnp.float32),
        mesh=mesh,
        scratch_types=[
            pltpu.VMEM((CH,), jnp.int32),
            pltpu.VMEM((CH,), jnp.int32),
            pltpu.VMEM((CH, f), jnp.float32),
            pltpu.VMEM_SHARED((n_pad, f), jnp.float32),
            pltpu.SemaphoreType.DMA,
        ],
        compiler_params=pltpu.CompilerParams(use_tc_tiling_on_sc=False),
    )
    def agg(src_hbm, dst_hbm, g_hbm, zeros_hbm, out_hbm,
            sidx, didx, rows, acc, sem):
        cid = lax.axis_index("c")
        sid = lax.axis_index("s")
        wid = sid * NC + cid
        pltpu.sync_copy(zeros_hbm, acc.at[pl.ds(sid * rpw, rpw)])
        plsc.subcore_barrier()

        def body(i, carry):
            base = wid * epw + i * CH
            pltpu.sync_copy(src_hbm.at[pl.ds(base, CH)], sidx)
            pltpu.sync_copy(dst_hbm.at[pl.ds(base, CH)], didx)
            pltpu.async_copy(g_hbm.at[sidx], rows, sem).wait()
            pltpu.sync_copy(rows, acc.at[didx], add=True)
            return carry

        lax.fori_loop(0, n_chunks, body, 0)
        plsc.subcore_barrier()
        pltpu.sync_copy(acc.at[pl.ds(sid * rpw, rpw)],
                        out_hbm.at[cid, pl.ds(sid * rpw, rpw)])

    return agg


_R = 2000


def _dinv_of(deg_ref):
    deg = deg_ref[0, :, 0:1] + deg_ref[1, :, 0:1] + 1.0
    return lax.rsqrt(deg)


def _tc_prep1(x, w1, degp):
    n, fi = x.shape
    fo = w1.shape[1]
    nb = n // _R

    def body(x_ref, w_ref, deg_ref, out_ref):
        dinv = _dinv_of(deg_ref)
        out_ref[...] = jnp.dot(x_ref[...], w_ref[...],
                               preferred_element_type=jnp.float32) * dinv

    return pl.pallas_call(
        body,
        grid=(nb,),
        in_specs=[
            pl.BlockSpec((_R, fi), lambda i: (i, 0)),
            pl.BlockSpec((fi, fo), lambda i: (0, 0)),
            pl.BlockSpec((2, _R, 16), lambda i: (0, i, 0)),
        ],
        out_specs=pl.BlockSpec((_R, fo), lambda i: (i, 0)),
        out_shape=jax.ShapeDtypeStruct((n, fo), jnp.float32),
    )(x, w1, degp)


def _tc_mid(aggp, gprev, degp, b, w):
    n, fi = gprev.shape
    fo = w.shape[1]
    nb = n // _R

    def body(agg_ref, g_ref, deg_ref, b_ref, w_ref, out_ref):
        dinv = _dinv_of(deg_ref)
        h = dinv * (agg_ref[0] + agg_ref[1] + g_ref[...]) + b_ref[...]
        h = jnp.maximum(h, 0.0)
        out_ref[...] = jnp.dot(h, w_ref[...],
                               preferred_element_type=jnp.float32) * dinv

    return pl.pallas_call(
        body,
        grid=(nb,),
        in_specs=[
            pl.BlockSpec((2, _R, fi), lambda i: (0, i, 0)),
            pl.BlockSpec((_R, fi), lambda i: (i, 0)),
            pl.BlockSpec((2, _R, 16), lambda i: (0, i, 0)),
            pl.BlockSpec((1, fi), lambda i: (0, 0)),
            pl.BlockSpec((fi, fo), lambda i: (0, 0)),
        ],
        out_specs=pl.BlockSpec((_R, fo), lambda i: (i, 0)),
        out_shape=jax.ShapeDtypeStruct((n, fo), jnp.float32),
    )(aggp, gprev, degp, b, w)


def _tc_final(aggp, g3, degp, b3, wf, bf):
    n, fi = g3.shape
    nclass = wf.shape[1]
    nb = n // _R

    def body(agg_ref, g_ref, deg_ref, b_ref, wf_ref, bf_ref, out_ref, pool):
        i = pl.program_id(0)
        dinv = _dinv_of(deg_ref)
        h = dinv * (agg_ref[0] + agg_ref[1] + g_ref[...]) + b_ref[...]
        h = jnp.maximum(h, 0.0)
        m = jnp.max(h, axis=0, keepdims=True)

        @pl.when(i == 0)
        def _():
            pool[...] = m

        @pl.when(i > 0)
        def _():
            pool[...] = jnp.maximum(pool[...], m)

        @pl.when(i == nb - 1)
        def _():
            logits = jnp.dot(pool[...], wf_ref[...],
                             preferred_element_type=jnp.float32) + bf_ref[...]
            mx = jnp.max(logits, axis=1, keepdims=True)
            s = logits - mx
            out_ref[...] = s - jnp.log(jnp.sum(jnp.exp(s), axis=1,
                                               keepdims=True))

    return pl.pallas_call(
        body,
        grid=(nb,),
        in_specs=[
            pl.BlockSpec((2, _R, fi), lambda i: (0, i, 0)),
            pl.BlockSpec((_R, fi), lambda i: (i, 0)),
            pl.BlockSpec((2, _R, 16), lambda i: (0, i, 0)),
            pl.BlockSpec((1, fi), lambda i: (0, 0)),
            pl.BlockSpec((fi, nclass), lambda i: (0, 0)),
            pl.BlockSpec((1, nclass), lambda i: (0, 0)),
        ],
        out_specs=pl.BlockSpec((1, nclass), lambda i: (0, 0)),
        out_shape=jax.ShapeDtypeStruct((1, nclass), jnp.float32),
        scratch_shapes=[pltpu.VMEM((1, fi), jnp.float32)],
    )(aggp, g3, degp, b3, wf, bf)


def kernel(x, edge_index, batch, W1, b1, W2, b2, W3, b3, Wf, bf):
    n, _ = x.shape
    e = edge_index.shape[1]
    f1, f2, f3 = W1.shape[1], W2.shape[1], W3.shape[1]

    n_pad = ((n // 128) + 2) * 128
    e_pad = -(-e // (NW * CH)) * (NW * CH)
    rpw = n_pad // NS

    src = edge_index[0]
    dst = edge_index[1]
    pad_e = e_pad - e
    if pad_e:
        src = jnp.concatenate([src, jnp.zeros((pad_e,), src.dtype)])
        dst = jnp.concatenate([dst, jnp.full((pad_e,), n, dst.dtype)])

    ones16 = jnp.ones((CH, 16), jnp.float32)
    z16 = jnp.zeros((rpw, 16), jnp.float32)
    zf1 = jnp.zeros((rpw, f1), jnp.float32)
    zf2 = jnp.zeros((rpw, f2), jnp.float32)
    zf3 = jnp.zeros((rpw, f3), jnp.float32)

    degp = _make_deg(n_pad, e_pad)(dst, ones16, z16)

    g1 = _tc_prep1(x, W1, degp)
    a1 = _make_agg(n_pad, f1, e_pad)(src, dst, g1, zf1)
    g2 = _tc_mid(a1, g1, degp, b1.reshape(1, -1), W2)
    a2 = _make_agg(n_pad, f2, e_pad)(src, dst, g2, zf2)
    g3 = _tc_mid(a2, g2, degp, b2.reshape(1, -1), W3)
    a3 = _make_agg(n_pad, f3, e_pad)(src, dst, g3, zf3)
    return _tc_final(a3, g3, degp, b3.reshape(1, -1), Wf, bf.reshape(1, -1))

# --- scband reference (transcript-rebuilt; emitter-appended) ---
"""Pipeline reference for scband-gcn-43533788512980 (READ-ONLY COPY).

The authoritative reference and input builder live on the scoring server;
editing this copy changes nothing except your own understanding.
"""

import jax, jax.numpy as jnp
import numpy as np

N = 10000
E = 320000
F_IN = 128
NUM_CLASSES = 10


def gcn_conv(x, src, dst, W, b, n):
    # PyG-style GCNConv: add self-loops, symmetric normalization, sum-aggregate
    loop = jnp.arange(n, dtype=src.dtype)
    s = jnp.concatenate([src, loop])
    d = jnp.concatenate([dst, loop])
    ew = jnp.ones(s.shape[0], dtype=x.dtype)
    deg = jnp.zeros((n,), dtype=x.dtype).at[d].add(ew)
    dinv = jnp.where(deg > 0, jax.lax.rsqrt(deg), 0.0)
    norm = dinv[s] * dinv[d]
    h = x @ W
    msg = h[s] * norm[:, None]
    out = jnp.zeros((n, W.shape[1]), dtype=x.dtype).at[d].add(msg)
    return out + b


def setup_inputs(seed: int = 0) -> dict:
    key = jax.random.key(seed)
    ks = jax.random.split(key, 10)
    x = jax.random.normal(ks[0], (N, F_IN), dtype=jnp.float32)
    edge_index = jax.random.randint(ks[1], (2, E), 0, N, dtype=jnp.int32)
    batch = jnp.zeros((N,), dtype=jnp.int32)
    W1 = jax.random.normal(ks[2], (F_IN, 128), dtype=jnp.float32) * 0.05
    b1 = jnp.zeros((128,), dtype=jnp.float32)
    W2 = jax.random.normal(ks[3], (128, 64), dtype=jnp.float32) * 0.05
    b2 = jnp.zeros((64,), dtype=jnp.float32)
    W3 = jax.random.normal(ks[4], (64, 32), dtype=jnp.float32) * 0.05
    b3 = jnp.zeros((32,), dtype=jnp.float32)
    Wf = jax.random.normal(ks[5], (32, NUM_CLASSES), dtype=jnp.float32) * 0.05
    bf = jnp.zeros((NUM_CLASSES,), dtype=jnp.float32)
    return {"x": x, "edge_index": edge_index, "batch": batch,
            "W1": W1, "b1": b1, "W2": W2, "b2": b2,
            "W3": W3, "b3": b3, "Wf": Wf, "bf": bf}


def reference(x, edge_index, batch, W1, b1, W2, b2, W3, b3, Wf, bf):
    src, dst = edge_index[0], edge_index[1]
    h = gcn_conv(x, src, dst, W1, b1, N)
    h = jax.nn.relu(h)
    # dropout is identity in eval mode
    h = gcn_conv(h, src, dst, W2, b2, N)
    h = jax.nn.relu(h)
    h = gcn_conv(h, src, dst, W3, b3, N)
    h = jax.nn.relu(h)
    pooled = jax.ops.segment_max(h, batch, num_segments=1)
    logits = pooled @ Wf + bf
    return jax.nn.log_softmax(logits, axis=1)

if __name__ == "__main__":
    import jax
    _d = setup_inputs()
    print(jax.jit(kernel)(*tuple(_d.values())))

</pallas_src>

<mosaic_0001>
#map = affine_map<(d0, d1) -> (0)>
#map1 = affine_map<(d0, d1) -> (0, 0)>
#map2 = affine_map<(d0, d1) -> (0, 0, 0)>
module attributes {stable_mosaic.version = 14 : i64} {
  func.func @agg(%arg0: i32, %arg1: i32, %arg2: memref<323584xi32, #tpu.memory_space<hbm>>, %arg3: memref<323584xi32, #tpu.memory_space<hbm>>, %arg4: memref<10000x64xf32, #tpu.memory_space<hbm>>, %arg5: memref<640x64xf32, #tpu.memory_space<hbm>>, %arg6: memref<2x10240x64xf32, #tpu.memory_space<hbm>>, %arg7: memref<128xi32, #tpu.memory_space<vmem>>, %arg8: memref<128xi32, #tpu.memory_space<vmem>>, %arg9: memref<128x64xf32, #tpu.memory_space<vmem>>, %arg10: memref<10240x64xf32, #tpu.memory_space<vmem_shared>>, %arg11: memref<!tpu.dma_semaphore, #tpu.memory_space<semaphore_mem>>) attributes {dimension_semantics = [#tpu.dimension_semantics<core_parallel>, #tpu.dimension_semantics<subcore_parallel>], iteration_bounds = array<i64: 2, 16>, scalar_prefetch = 0 : i64, scratch_operands = 5 : i64, tpu.core_type = #tpu.core_type<sc_vector_subcore>, window_params = [{transform_indices = #map}, {transform_indices = #map}, {transform_indices = #map1}, {transform_indices = #map1}, {transform_indices = #map2}]} {
    %mul3A = arith.constant 2 : i32
    %mul3A_0 = arith.muli %arg1, %mul3A : i32
    %add3A = arith.addi %mul3A_0, %arg0 : i32
    %mul3A_1 = arith.constant 640 : i32
    %mul3A_2 = arith.muli %arg1, %mul3A_1 : i32
    "tpu.region"() ({
      %run_scoped3A = tpu.sem_alloc : memref<!tpu.dma_semaphore, #tpu.memory_space<semaphore_mem>>
      %dma_start3A = arith.constant 0 : i32
      %dma_start3A_13 = tpu.memref_slice %arg10[%mul3A_2, %dma_start3A] : memref<10240x64xf32, #tpu.memory_space<vmem_shared>> -> memref<640x64xf32, #tpu.memory_space<vmem_shared>>
      tpu.enqueue_dma source(%arg5 : memref<640x64xf32, #tpu.memory_space<hbm>>) target(%dma_start3A_13 : memref<640x64xf32, #tpu.memory_space<vmem_shared>>) target_semaphore(%run_scoped3A : memref<!tpu.dma_semaphore, #tpu.memory_space<semaphore_mem>>)
      %dma_wait3A = arith.constant 0 : i32
      %dma_wait3A_14 = tpu.memref_slice %arg10[%mul3A_2, %dma_wait3A] : memref<10240x64xf32, #tpu.memory_space<vmem_shared>> -> memref<640x64xf32, #tpu.memory_space<vmem_shared>>
      tpu.wait_dma2 semaphore(%run_scoped3A : memref<!tpu.dma_semaphore, #tpu.memory_space<semaphore_mem>>) src(%arg5 : memref<640x64xf32, #tpu.memory_space<hbm>>) dst(%dma_wait3A_14 : memref<640x64xf32, #tpu.memory_space<vmem_shared>>)
      tpu.yield
    }) : () -> ()
    %barrier3A = arith.constant 0 : index
    tpu.barrier barrier_id(%barrier3A)
    %scan3A = arith.constant 0 : i32
    %scan3A_3 = arith.constant 0 : i32
    %scan3A_4 = arith.constant 79 : i32
    %scan3A_5 = arith.addi %scan3A_3, %scan3A_4 : i32
    %scan3A_6 = arith.constant 1 : i32
    scf.for %scan3A_13 = %scan3A_3 to %scan3A_5 step %scan3A_6  : i32 {
      %mul3A_14 = arith.constant 10112 : i32
      %mul3A_15 = arith.muli %add3A, %mul3A_14 : i32
      %mul3A_16 = arith.constant 128 : i32
      %mul3A_17 = arith.muli %scan3A_13, %mul3A_16 : i32
      %add3A_18 = arith.addi %mul3A_15, %mul3A_17 : i32
      "tpu.region"() ({
        %run_scoped3A = tpu.sem_alloc : memref<!tpu.dma_semaphore, #tpu.memory_space<semaphore_mem>>
        %dma_start3A_23 = tpu.memref_slice %arg2[%add3A_18] : memref<323584xi32, #tpu.memory_space<hbm>> -> memref<128xi32, #tpu.memory_space<hbm>>
        %dma_start3A_24 = tpu.memref_slice %arg2[%add3A_18] : memref<323584xi32, #tpu.memory_space<hbm>> -> memref<128xi32, #tpu.memory_space<hbm>>
        tpu.enqueue_dma source(%dma_start3A_24 : memref<128xi32, #tpu.memory_space<hbm>>) target(%arg7 : memref<128xi32, #tpu.memory_space<vmem>>) target_semaphore(%run_scoped3A : memref<!tpu.dma_semaphore, #tpu.memory_space<semaphore_mem>>)
        %dma_wait3A_25 = tpu.memref_slice %arg2[%add3A_18] : memref<323584xi32, #tpu.memory_space<hbm>> -> memref<128xi32, #tpu.memory_space<hbm>>
        %dma_wait3A_26 = tpu.memref_slice %arg2[%add3A_18] : memref<323584xi32, #tpu.memory_space<hbm>> -> memref<128xi32, #tpu.memory_space<hbm>>
        tpu.wait_dma2 semaphore(%run_scoped3A : memref<!tpu.dma_semaphore, #tpu.memory_space<semaphore_mem>>) src(%dma_wait3A_26 : memref<128xi32, #tpu.memory_space<hbm>>) dst(%arg7 : memref<128xi32, #tpu.memory_space<vmem>>)
        tpu.yield
      }) : () -> ()
      "tpu.region"() ({
        %run_scoped3A = tpu.sem_alloc : memref<!tpu.dma_semaphore, #tpu.memory_space<semaphore_mem>>
        %dma_start3A_23 = tpu.memref_slice %arg3[%add3A_18] : memref<323584xi32, #tpu.memory_space<hbm>> -> memref<128xi32, #tpu.memory_space<hbm>>
        %dma_start3A_24 = tpu.memref_slice %arg3[%add3A_18] : memref<323584xi32, #tpu.memory_space<hbm>> -> memref<128xi32, #tpu.memory_space<hbm>>
        tpu.enqueue_dma source(%dma_start3A_24 : memref<128xi32, #tpu.memory_space<hbm>>) target(%arg8 : memref<128xi32, #tpu.memory_space<vmem>>) target_semaphore(%run_scoped3A : memref<!tpu.dma_semaphore, #tpu.memory_space<semaphore_mem>>)
        %dma_wait3A_25 = tpu.memref_slice %arg3[%add3A_18] : memref<323584xi32, #tpu.memory_space<hbm>> -> memref<128xi32, #tpu.memory_space<hbm>>
        %dma_wait3A_26 = tpu.memref_slice %arg3[%add3A_18] : memref<323584xi32, #tpu.memory_space<hbm>> -> memref<128xi32, #tpu.memory_space<hbm>>
        tpu.wait_dma2 semaphore(%run_scoped3A : memref<!tpu.dma_semaphore, #tpu.memory_space<semaphore_mem>>) src(%dma_wait3A_26 : memref<128xi32, #tpu.memory_space<hbm>>) dst(%arg8 : memref<128xi32, #tpu.memory_space<vmem>>)
        tpu.yield
      }) : () -> ()
      %dma_start3A = arith.constant 0 : i32
      %dma_start3A_19 = arith.constant 0 : i32
      %dma_start3A_20 = tpu.memref_slice %arg4[%dma_start3A, %dma_start3A_19] : memref<10000x64xf32, #tpu.memory_space<hbm>> -> memref<10000x64xf32, #tpu.memory_space<hbm>>
      tpu.enqueue_indirect_dma source(%dma_start3A_20 : memref<10000x64xf32, #tpu.memory_space<hbm>>) target(%arg9 : memref<128x64xf32, #tpu.memory_space<vmem>>) offsets(%arg7 : memref<128xi32, #tpu.memory_space<vmem>>) semaphore(%arg11 : memref<!tpu.dma_semaphore, #tpu.memory_space<semaphore_mem>>)
      %dma_wait3A = arith.constant 0 : i32
      %dma_wait3A_21 = arith.constant 0 : i32
      %dma_wait3A_22 = tpu.memref_slice %arg4[%dma_wait3A, %dma_wait3A_21] : memref<10000x64xf32, #tpu.memory_space<hbm>> -> memref<10000x64xf32, #tpu.memory_space<hbm>>
      tpu.wait_indirect_dma semaphore(%arg11 : memref<!tpu.dma_semaphore, #tpu.memory_space<semaphore_mem>>) src(%dma_wait3A_22 : memref<10000x64xf32, #tpu.memory_space<hbm>>) dst(%arg9 : memref<128x64xf32, #tpu.memory_space<vmem>>)
      "tpu.region"() ({
        %run_scoped3A = tpu.sem_alloc : memref<!tpu.dma_semaphore, #tpu.memory_space<semaphore_mem>>
        %dma_start3A_23 = arith.constant 0 : i32
        %dma_start3A_24 = arith.constant 0 : i32
        %dma_start3A_25 = tpu.memref_slice %arg10[%dma_start3A_23, %dma_start3A_24] : memref<10240x64xf32, #tpu.memory_space<vmem_shared>> -> memref<10240x64xf32, #tpu.memory_space<vmem_shared>>
        tpu.enqueue_indirect_dma source(%arg9 : memref<128x64xf32, #tpu.memory_space<vmem>>) target(%dma_start3A_25 : memref<10240x64xf32, #tpu.memory_space<vmem_shared>>) offsets(%arg8 : memref<128xi32, #tpu.memory_space<vmem>>) semaphore(%run_scoped3A : memref<!tpu.dma_semaphore, #tpu.memory_space<semaphore_mem>>) {add = true}
        %dma_wait3A_26 = arith.constant 0 : i32
        %dma_wait3A_27 = arith.constant 0 : i32
        %dma_wait3A_28 = tpu.memref_slice %arg10[%dma_wait3A_26, %dma_wait3A_27] : memref<10240x64xf32, #tpu.memory_space<vmem_shared>> -> memref<10240x64xf32, #tpu.memory_space<vmem_shared>>
        tpu.wait_indirect_dma semaphore(%run_scoped3A : memref<!tpu.dma_semaphore, #tpu.memory_space<semaphore_mem>>) src(%arg9 : memref<128x64xf32, #tpu.memory_space<vmem>>) dst(%dma_wait3A_28 : memref<10240x64xf32, #tpu.memory_space<vmem_shared>>)
        tpu.yield
      }) : () -> ()
    }
    %scan3A_7 = arith.constant 79 : i32
    %barrier3A_8 = arith.constant 0 : index
    tpu.barrier barrier_id(%barrier3A_8)
    %mul3A_9 = arith.constant 640 : i32
    %mul3A_10 = arith.muli %arg1, %mul3A_9 : i32
    %mul3A_11 = arith.constant 640 : i32
    %mul3A_12 = arith.muli %arg1, %mul3A_11 : i32
    "tpu.region"() ({
      %run_scoped3A = tpu.sem_alloc : memref<!tpu.dma_semaphore, #tpu.memory_space<semaphore_mem>>
      %dma_start3A = arith.constant 0 : i32
      %dma_start3A_13 = tpu.memref_slice %arg6[%arg0, %mul3A_12, %dma_start3A] : memref<2x10240x64xf32, #tpu.memory_space<hbm>> -> memref<1x640x64xf32, #tpu.memory_space<hbm>>
      %dma_start3A_14 = tpu.memref_squeeze %dma_start3A_13 : memref<1x640x64xf32, #tpu.memory_space<hbm>> -> memref<640x64xf32, #tpu.memory_space<hbm>>
      %dma_start3A_15 = arith.constant 0 : i32
      %dma_start3A_16 = tpu.memref_slice %arg10[%mul3A_10, %dma_start3A_15] : memref<10240x64xf32, #tpu.memory_space<vmem_shared>> -> memref<640x64xf32, #tpu.memory_space<vmem_shared>>
      tpu.enqueue_dma source(%dma_start3A_16 : memref<640x64xf32, #tpu.memory_space<vmem_shared>>) target(%dma_start3A_14 : memref<640x64xf32, #tpu.memory_space<hbm>>) target_semaphore(%run_scoped3A : memref<!tpu.dma_semaphore, #tpu.memory_space<semaphore_mem>>)
      %dma_wait3A = arith.constant 0 : i32
      %dma_wait3A_17 = tpu.memref_slice %arg6[%arg0, %mul3A_12, %dma_wait3A] : memref<2x10240x64xf32, #tpu.memory_space<hbm>> -> memref<1x640x64xf32, #tpu.memory_space<hbm>>
      %dma_wait3A_18 = tpu.memref_squeeze %dma_wait3A_17 : memref<1x640x64xf32, #tpu.memory_space<hbm>> -> memref<640x64xf32, #tpu.memory_space<hbm>>
      %dma_wait3A_19 = arith.constant 0 : i32
      %dma_wait3A_20 = tpu.memref_slice %arg10[%mul3A_10, %dma_wait3A_19] : memref<10240x64xf32, #tpu.memory_space<vmem_shared>> -> memref<640x64xf32, #tpu.memory_space<vmem_shared>>
      tpu.wait_dma2 semaphore(%run_scoped3A : memref<!tpu.dma_semaphore, #tpu.memory_space<semaphore_mem>>) src(%dma_wait3A_20 : memref<640x64xf32, #tpu.memory_space<vmem_shared>>) dst(%dma_wait3A_18 : memref<640x64xf32, #tpu.memory_space<hbm>>)
      tpu.yield
    }) : () -> ()
    return
  }
}

#map = affine_map<(d0, d1) -> (0)>
#map1 = affine_map<(d0, d1) -> (0, 0)>
#map2 = affine_map<(d0, d1) -> (0, 0, 0)>
module attributes {stable_mosaic.version = 14 : i64} {
  func.func @agg(%arg0: i32, %arg1: i32, %arg2: memref<323584xi32, #tpu.memory_space<hbm>>, %arg3: memref<323584xi32, #tpu.memory_space<hbm>>, %arg4: memref<10000x128xf32, #tpu.memory_space<hbm>>, %arg5: memref<640x128xf32, #tpu.memory_space<hbm>>, %arg6: memref<2x10240x128xf32, #tpu.memory_space<hbm>>, %arg7: memref<128xi32, #tpu.memory_space<vmem>>, %arg8: memref<128xi32, #tpu.memory_space<vmem>>, %arg9: memref<128x128xf32, #tpu.memory_space<vmem>>, %arg10: memref<10240x128xf32, #tpu.memory_space<vmem_shared>>, %arg11: memref<!tpu.dma_semaphore, #tpu.memory_space<semaphore_mem>>) attributes {dimension_semantics = [#tpu.dimension_semantics<core_parallel>, #tpu.dimension_semantics<subcore_parallel>], iteration_bounds = array<i64: 2, 16>, scalar_prefetch = 0 : i64, scratch_operands = 5 : i64, tpu.core_type = #tpu.core_type<sc_vector_subcore>, window_params = [{transform_indices = #map}, {transform_indices = #map}, {transform_indices = #map1}, {transform_indices = #map1}, {transform_indices = #map2}]} {
    %mul3A = arith.constant 2 : i32
    %mul3A_0 = arith.muli %arg1, %mul3A : i32
    %add3A = arith.addi %mul3A_0, %arg0 : i32
    %mul3A_1 = arith.constant 640 : i32
    %mul3A_2 = arith.muli %arg1, %mul3A_1 : i32
    "tpu.region"() ({
      %run_scoped3A = tpu.sem_alloc : memref<!tpu.dma_semaphore, #tpu.memory_space<semaphore_mem>>
      %dma_start3A = arith.constant 0 : i32
      %dma_start3A_13 = tpu.memref_slice %arg10[%mul3A_2, %dma_start3A] : memref<10240x128xf32, #tpu.memory_space<vmem_shared>> -> memref<640x128xf32, #tpu.memory_space<vmem_shared>>
      tpu.enqueue_dma source(%arg5 : memref<640x128xf32, #tpu.memory_space<hbm>>) target(%dma_start3A_13 : memref<640x128xf32, #tpu.memory_space<vmem_shared>>) target_semaphore(%run_scoped3A : memref<!tpu.dma_semaphore, #tpu.memory_space<semaphore_mem>>)
      %dma_wait3A = arith.constant 0 : i32
      %dma_wait3A_14 = tpu.memref_slice %arg10[%mul3A_2, %dma_wait3A] : memref<10240x128xf32, #tpu.memory_space<vmem_shared>> -> memref<640x128xf32, #tpu.memory_space<vmem_shared>>
      tpu.wait_dma2 semaphore(%run_scoped3A : memref<!tpu.dma_semaphore, #tpu.memory_space<semaphore_mem>>) src(%arg5 : memref<640x128xf32, #tpu.memory_space<hbm>>) dst(%dma_wait3A_14 : memref<640x128xf32, #tpu.memory_space<vmem_shared>>)
      tpu.yield
    }) : () -> ()
    %barrier3A = arith.constant 0 : index
    tpu.barrier barrier_id(%barrier3A)
    %scan3A = arith.constant 0 : i32
    %scan3A_3 = arith.constant 0 : i32
    %scan3A_4 = arith.constant 79 : i32
    %scan3A_5 = arith.addi %scan3A_3, %scan3A_4 : i32
    %scan3A_6 = arith.constant 1 : i32
    scf.for %scan3A_13 = %scan3A_3 to %scan3A_5 step %scan3A_6  : i32 {
      %mul3A_14 = arith.constant 10112 : i32
      %mul3A_15 = arith.muli %add3A, %mul3A_14 : i32
      %mul3A_16 = arith.constant 128 : i32
      %mul3A_17 = arith.muli %scan3A_13, %mul3A_16 : i32
      %add3A_18 = arith.addi %mul3A_15, %mul3A_17 : i32
      "tpu.region"() ({
        %run_scoped3A = tpu.sem_alloc : memref<!tpu.dma_semaphore, #tpu.memory_space<semaphore_mem>>
        %dma_start3A_23 = tpu.memref_slice %arg2[%add3A_18] : memref<323584xi32, #tpu.memory_space<hbm>> -> memref<128xi32, #tpu.memory_space<hbm>>
        %dma_start3A_24 = tpu.memref_slice %arg2[%add3A_18] : memref<323584xi32, #tpu.memory_space<hbm>> -> memref<128xi32, #tpu.memory_space<hbm>>
        tpu.enqueue_dma source(%dma_start3A_24 : memref<128xi32, #tpu.memory_space<hbm>>) target(%arg7 : memref<128xi32, #tpu.memory_space<vmem>>) target_semaphore(%run_scoped3A : memref<!tpu.dma_semaphore, #tpu.memory_space<semaphore_mem>>)
        %dma_wait3A_25 = tpu.memref_slice %arg2[%add3A_18] : memref<323584xi32, #tpu.memory_space<hbm>> -> memref<128xi32, #tpu.memory_space<hbm>>
        %dma_wait3A_26 = tpu.memref_slice %arg2[%add3A_18] : memref<323584xi32, #tpu.memory_space<hbm>> -> memref<128xi32, #tpu.memory_space<hbm>>
        tpu.wait_dma2 semaphore(%run_scoped3A : memref<!tpu.dma_semaphore, #tpu.memory_space<semaphore_mem>>) src(%dma_wait3A_26 : memref<128xi32, #tpu.memory_space<hbm>>) dst(%arg7 : memref<128xi32, #tpu.memory_space<vmem>>)
        tpu.yield
      }) : () -> ()
      "tpu.region"() ({
        %run_scoped3A = tpu.sem_alloc : memref<!tpu.dma_semaphore, #tpu.memory_space<semaphore_mem>>
        %dma_start3A_23 = tpu.memref_slice %arg3[%add3A_18] : memref<323584xi32, #tpu.memory_space<hbm>> -> memref<128xi32, #tpu.memory_space<hbm>>
        %dma_start3A_24 = tpu.memref_slice %arg3[%add3A_18] : memref<323584xi32, #tpu.memory_space<hbm>> -> memref<128xi32, #tpu.memory_space<hbm>>
        tpu.enqueue_dma source(%dma_start3A_24 : memref<128xi32, #tpu.memory_space<hbm>>) target(%arg8 : memref<128xi32, #tpu.memory_space<vmem>>) target_semaphore(%run_scoped3A : memref<!tpu.dma_semaphore, #tpu.memory_space<semaphore_mem>>)
        %dma_wait3A_25 = tpu.memref_slice %arg3[%add3A_18] : memref<323584xi32, #tpu.memory_space<hbm>> -> memref<128xi32, #tpu.memory_space<hbm>>
        %dma_wait3A_26 = tpu.memref_slice %arg3[%add3A_18] : memref<323584xi32, #tpu.memory_space<hbm>> -> memref<128xi32, #tpu.memory_space<hbm>>
        tpu.wait_dma2 semaphore(%run_scoped3A : memref<!tpu.dma_semaphore, #tpu.memory_space<semaphore_mem>>) src(%dma_wait3A_26 : memref<128xi32, #tpu.memory_space<hbm>>) dst(%arg8 : memref<128xi32, #tpu.memory_space<vmem>>)
        tpu.yield
      }) : () -> ()
      %dma_start3A = arith.constant 0 : i32
      %dma_start3A_19 = arith.constant 0 : i32
      %dma_start3A_20 = tpu.memref_slice %arg4[%dma_start3A, %dma_start3A_19] : memref<10000x128xf32, #tpu.memory_space<hbm>> -> memref<10000x128xf32, #tpu.memory_space<hbm>>
      tpu.enqueue_indirect_dma source(%dma_start3A_20 : memref<10000x128xf32, #tpu.memory_space<hbm>>) target(%arg9 : memref<128x128xf32, #tpu.memory_space<vmem>>) offsets(%arg7 : memref<128xi32, #tpu.memory_space<vmem>>) semaphore(%arg11 : memref<!tpu.dma_semaphore, #tpu.memory_space<semaphore_mem>>)
      %dma_wait3A = arith.constant 0 : i32
      %dma_wait3A_21 = arith.constant 0 : i32
      %dma_wait3A_22 = tpu.memref_slice %arg4[%dma_wait3A, %dma_wait3A_21] : memref<10000x128xf32, #tpu.memory_space<hbm>> -> memref<10000x128xf32, #tpu.memory_space<hbm>>
      tpu.wait_indirect_dma semaphore(%arg11 : memref<!tpu.dma_semaphore, #tpu.memory_space<semaphore_mem>>) src(%dma_wait3A_22 : memref<10000x128xf32, #tpu.memory_space<hbm>>) dst(%arg9 : memref<128x128xf32, #tpu.memory_space<vmem>>)
      "tpu.region"() ({
        %run_scoped3A = tpu.sem_alloc : memref<!tpu.dma_semaphore, #tpu.memory_space<semaphore_mem>>
        %dma_start3A_23 = arith.constant 0 : i32
        %dma_start3A_24 = arith.constant 0 : i32
        %dma_start3A_25 = tpu.memref_slice %arg10[%dma_start3A_23, %dma_start3A_24] : memref<10240x128xf32, #tpu.memory_space<vmem_shared>> -> memref<10240x128xf32, #tpu.memory_space<vmem_shared>>
        tpu.enqueue_indirect_dma source(%arg9 : memref<128x128xf32, #tpu.memory_space<vmem>>) target(%dma_start3A_25 : memref<10240x128xf32, #tpu.memory_space<vmem_shared>>) offsets(%arg8 : memref<128xi32, #tpu.memory_space<vmem>>) semaphore(%run_scoped3A : memref<!tpu.dma_semaphore, #tpu.memory_space<semaphore_mem>>) {add = true}
        %dma_wait3A_26 = arith.constant 0 : i32
        %dma_wait3A_27 = arith.constant 0 : i32
        %dma_wait3A_28 = tpu.memref_slice %arg10[%dma_wait3A_26, %dma_wait3A_27] : memref<10240x128xf32, #tpu.memory_space<vmem_shared>> -> memref<10240x128xf32, #tpu.memory_space<vmem_shared>>
        tpu.wait_indirect_dma semaphore(%run_scoped3A : memref<!tpu.dma_semaphore, #tpu.memory_space<semaphore_mem>>) src(%arg9 : memref<128x128xf32, #tpu.memory_space<vmem>>) dst(%dma_wait3A_28 : memref<10240x128xf32, #tpu.memory_space<vmem_shared>>)
        tpu.yield
      }) : () -> ()
    }
    %scan3A_7 = arith.constant 79 : i32
    %barrier3A_8 = arith.constant 0 : index
    tpu.barrier barrier_id(%barrier3A_8)
    %mul3A_9 = arith.constant 640 : i32
    %mul3A_10 = arith.muli %arg1, %mul3A_9 : i32
    %mul3A_11 = arith.constant 640 : i32
    %mul3A_12 = arith.muli %arg1, %mul3A_11 : i32
    "tpu.region"() ({
      %run_scoped3A = tpu.sem_alloc : memref<!tpu.dma_semaphore, #tpu.memory_space<semaphore_mem>>
      %dma_start3A = arith.constant 0 : i32
      %dma_start3A_13 = tpu.memref_slice %arg6[%arg0, %mul3A_12, %dma_start3A] : memref<2x10240x128xf32, #tpu.memory_space<hbm>> -> memref<1x640x128xf32, #tpu.memory_space<hbm>>
      %dma_start3A_14 = tpu.memref_squeeze %dma_start3A_13 : memref<1x640x128xf32, #tpu.memory_space<hbm>> -> memref<640x128xf32, #tpu.memory_space<hbm>>
      %dma_start3A_15 = arith.constant 0 : i32
      %dma_start3A_16 = tpu.memref_slice %arg10[%mul3A_10, %dma_start3A_15] : memref<10240x128xf32, #tpu.memory_space<vmem_shared>> -> memref<640x128xf32, #tpu.memory_space<vmem_shared>>
      tpu.enqueue_dma source(%dma_start3A_16 : memref<640x128xf32, #tpu.memory_space<vmem_shared>>) target(%dma_start3A_14 : memref<640x128xf32, #tpu.memory_space<hbm>>) target_semaphore(%run_scoped3A : memref<!tpu.dma_semaphore, #tpu.memory_space<semaphore_mem>>)
      %dma_wait3A = arith.constant 0 : i32
      %dma_wait3A_17 = tpu.memref_slice %arg6[%arg0, %mul3A_12, %dma_wait3A] : memref<2x10240x128xf32, #tpu.memory_space<hbm>> -> memref<1x640x128xf32, #tpu.memory_space<hbm>>
      %dma_wait3A_18 = tpu.memref_squeeze %dma_wait3A_17 : memref<1x640x128xf32, #tpu.memory_space<hbm>> -> memref<640x128xf32, #tpu.memory_space<hbm>>
      %dma_wait3A_19 = arith.constant 0 : i32
      %dma_wait3A_20 = tpu.memref_slice %arg10[%mul3A_10, %dma_wait3A_19] : memref<10240x128xf32, #tpu.memory_space<vmem_shared>> -> memref<640x128xf32, #tpu.memory_space<vmem_shared>>
      tpu.wait_dma2 semaphore(%run_scoped3A : memref<!tpu.dma_semaphore, #tpu.memory_space<semaphore_mem>>) src(%dma_wait3A_20 : memref<640x128xf32, #tpu.memory_space<vmem_shared>>) dst(%dma_wait3A_18 : memref<640x128xf32, #tpu.memory_space<hbm>>)
      tpu.yield
    }) : () -> ()
    return
  }
}

#map = affine_map<(d0, d1) -> (0)>
#map1 = affine_map<(d0, d1) -> (0, 0)>
#map2 = affine_map<(d0, d1) -> (0, 0, 0)>
module attributes {stable_mosaic.version = 14 : i64} {
  func.func @deg(%arg0: i32, %arg1: i32, %arg2: memref<323584xi32, #tpu.memory_space<hbm>>, %arg3: memref<128x16xf32, #tpu.memory_space<hbm>>, %arg4: memref<640x16xf32, #tpu.memory_space<hbm>>, %arg5: memref<2x10240x16xf32, #tpu.memory_space<hbm>>, %arg6: memref<128xi32, #tpu.memory_space<vmem>>, %arg7: memref<128x16xf32, #tpu.memory_space<vmem>>, %arg8: memref<10240x16xf32, #tpu.memory_space<vmem_shared>>) attributes {dimension_semantics = [#tpu.dimension_semantics<core_parallel>, #tpu.dimension_semantics<subcore_parallel>], iteration_bounds = array<i64: 2, 16>, scalar_prefetch = 0 : i64, scratch_operands = 3 : i64, tpu.core_type = #tpu.core_type<sc_vector_subcore>, window_params = [{transform_indices = #map}, {transform_indices = #map1}, {transform_indices = #map1}, {transform_indices = #map2}]} {
    %mul3A = arith.constant 2 : i32
    %mul3A_0 = arith.muli %arg1, %mul3A : i32
    %add3A = arith.addi %mul3A_0, %arg0 : i32
    "tpu.region"() ({
      %run_scoped3A = tpu.sem_alloc : memref<!tpu.dma_semaphore, #tpu.memory_space<semaphore_mem>>
      tpu.enqueue_dma source(%arg3 : memref<128x16xf32, #tpu.memory_space<hbm>>) target(%arg7 : memref<128x16xf32, #tpu.memory_space<vmem>>) target_semaphore(%run_scoped3A : memref<!tpu.dma_semaphore, #tpu.memory_space<semaphore_mem>>)
      tpu.wait_dma2 semaphore(%run_scoped3A : memref<!tpu.dma_semaphore, #tpu.memory_space<semaphore_mem>>) src(%arg3 : memref<128x16xf32, #tpu.memory_space<hbm>>) dst(%arg7 : memref<128x16xf32, #tpu.memory_space<vmem>>)
      tpu.yield
    }) : () -> ()
    %mul3A_1 = arith.constant 640 : i32
    %mul3A_2 = arith.muli %arg1, %mul3A_1 : i32
    "tpu.region"() ({
      %run_scoped3A = tpu.sem_alloc : memref<!tpu.dma_semaphore, #tpu.memory_space<semaphore_mem>>
      %dma_start3A = arith.constant 0 : i32
      %dma_start3A_13 = tpu.memref_slice %arg8[%mul3A_2, %dma_start3A] : memref<10240x16xf32, #tpu.memory_space<vmem_shared>> -> memref<640x16xf32, #tpu.memory_space<vmem_shared>>
      tpu.enqueue_dma source(%arg4 : memref<640x16xf32, #tpu.memory_space<hbm>>) target(%dma_start3A_13 : memref<640x16xf32, #tpu.memory_space<vmem_shared>>) target_semaphore(%run_scoped3A : memref<!tpu.dma_semaphore, #tpu.memory_space<semaphore_mem>>)
      %dma_wait3A = arith.constant 0 : i32
      %dma_wait3A_14 = tpu.memref_slice %arg8[%mul3A_2, %dma_wait3A] : memref<10240x16xf32, #tpu.memory_space<vmem_shared>> -> memref<640x16xf32, #tpu.memory_space<vmem_shared>>
      tpu.wait_dma2 semaphore(%run_scoped3A : memref<!tpu.dma_semaphore, #tpu.memory_space<semaphore_mem>>) src(%arg4 : memref<640x16xf32, #tpu.memory_space<hbm>>) dst(%dma_wait3A_14 : memref<640x16xf32, #tpu.memory_space<vmem_shared>>)
      tpu.yield
    }) : () -> ()
    %barrier3A = arith.constant 0 : index
    tpu.barrier barrier_id(%barrier3A)
    %scan3A = arith.constant 0 : i32
    %scan3A_3 = arith.constant 0 : i32
    %scan3A_4 = arith.constant 79 : i32
    %scan3A_5 = arith.addi %scan3A_3, %scan3A_4 : i32
    %scan3A_6 = arith.constant 1 : i32
    scf.for %scan3A_13 = %scan3A_3 to %scan3A_5 step %scan3A_6  : i32 {
      %mul3A_14 = arith.constant 10112 : i32
      %mul3A_15 = arith.muli %add3A, %mul3A_14 : i32
      %mul3A_16 = arith.constant 128 : i32
      %mul3A_17 = arith.muli %scan3A_13, %mul3A_16 : i32
      %add3A_18 = arith.addi %mul3A_15, %mul3A_17 : i32
      "tpu.region"() ({
        %run_scoped3A = tpu.sem_alloc : memref<!tpu.dma_semaphore, #tpu.memory_space<semaphore_mem>>
        %dma_start3A = tpu.memref_slice %arg2[%add3A_18] : memref<323584xi32, #tpu.memory_space<hbm>> -> memref<128xi32, #tpu.memory_space<hbm>>
        %dma_start3A_19 = tpu.memref_slice %arg2[%add3A_18] : memref<323584xi32, #tpu.memory_space<hbm>> -> memref<128xi32, #tpu.memory_space<hbm>>
        tpu.enqueue_dma source(%dma_start3A_19 : memref<128xi32, #tpu.memory_space<hbm>>) target(%arg6 : memref<128xi32, #tpu.memory_space<vmem>>) target_semaphore(%run_scoped3A : memref<!tpu.dma_semaphore, #tpu.memory_space<semaphore_mem>>)
        %dma_wait3A = tpu.memref_slice %arg2[%add3A_18] : memref<323584xi32, #tpu.memory_space<hbm>> -> memref<128xi32, #tpu.memory_space<hbm>>
        %dma_wait3A_20 = tpu.memref_slice %arg2[%add3A_18] : memref<323584xi32, #tpu.memory_space<hbm>> -> memref<128xi32, #tpu.memory_space<hbm>>
        tpu.wait_dma2 semaphore(%run_scoped3A : memref<!tpu.dma_semaphore, #tpu.memory_space<semaphore_mem>>) src(%dma_wait3A_20 : memref<128xi32, #tpu.memory_space<hbm>>) dst(%arg6 : memref<128xi32, #tpu.memory_space<vmem>>)
        tpu.yield
      }) : () -> ()
      "tpu.region"() ({
        %run_scoped3A = tpu.sem_alloc : memref<!tpu.dma_semaphore, #tpu.memory_space<semaphore_mem>>
        %dma_start3A = arith.constant 0 : i32
        %dma_start3A_19 = arith.constant 0 : i32
        %dma_start3A_20 = tpu.memref_slice %arg8[%dma_start3A, %dma_start3A_19] : memref<10240x16xf32, #tpu.memory_space<vmem_shared>> -> memref<10240x16xf32, #tpu.memory_space<vmem_shared>>
        tpu.enqueue_indirect_dma source(%arg7 : memref<128x16xf32, #tpu.memory_space<vmem>>) target(%dma_start3A_20 : memref<10240x16xf32, #tpu.memory_space<vmem_shared>>) offsets(%arg6 : memref<128xi32, #tpu.memory_space<vmem>>) semaphore(%run_scoped3A : memref<!tpu.dma_semaphore, #tpu.memory_space<semaphore_mem>>) {add = true}
        %dma_wait3A = arith.constant 0 : i32
        %dma_wait3A_21 = arith.constant 0 : i32
        %dma_wait3A_22 = tpu.memref_slice %arg8[%dma_wait3A, %dma_wait3A_21] : memref<10240x16xf32, #tpu.memory_space<vmem_shared>> -> memref<10240x16xf32, #tpu.memory_space<vmem_shared>>
        tpu.wait_indirect_dma semaphore(%run_scoped3A : memref<!tpu.dma_semaphore, #tpu.memory_space<semaphore_mem>>) src(%arg7 : memref<128x16xf32, #tpu.memory_space<vmem>>) dst(%dma_wait3A_22 : memref<10240x16xf32, #tpu.memory_space<vmem_shared>>)
        tpu.yield
      }) : () -> ()
    }
    %scan3A_7 = arith.constant 79 : i32
    %barrier3A_8 = arith.constant 0 : index
    tpu.barrier barrier_id(%barrier3A_8)
    %mul3A_9 = arith.constant 640 : i32
    %mul3A_10 = arith.muli %arg1, %mul3A_9 : i32
    %mul3A_11 = arith.constant 640 : i32
    %mul3A_12 = arith.muli %arg1, %mul3A_11 : i32
    "tpu.region"() ({
      %run_scoped3A = tpu.sem_alloc : memref<!tpu.dma_semaphore, #tpu.memory_space<semaphore_mem>>
      %dma_start3A = arith.constant 0 : i32
      %dma_start3A_13 = tpu.memref_slice %arg5[%arg0, %mul3A_12, %dma_start3A] : memref<2x10240x16xf32, #tpu.memory_space<hbm>> -> memref<1x640x16xf32, #tpu.memory_space<hbm>>
      %dma_start3A_14 = tpu.memref_squeeze %dma_start3A_13 : memref<1x640x16xf32, #tpu.memory_space<hbm>> -> memref<640x16xf32, #tpu.memory_space<hbm>>
      %dma_start3A_15 = arith.constant 0 : i32
      %dma_start3A_16 = tpu.memref_slice %arg8[%mul3A_10, %dma_start3A_15] : memref<10240x16xf32, #tpu.memory_space<vmem_shared>> -> memref<640x16xf32, #tpu.memory_space<vmem_shared>>
      tpu.enqueue_dma source(%dma_start3A_16 : memref<640x16xf32, #tpu.memory_space<vmem_shared>>) target(%dma_start3A_14 : memref<640x16xf32, #tpu.memory_space<hbm>>) target_semaphore(%run_scoped3A : memref<!tpu.dma_semaphore, #tpu.memory_space<semaphore_mem>>)
      %dma_wait3A = arith.constant 0 : i32
      %dma_wait3A_17 = tpu.memref_slice %arg5[%arg0, %mul3A_12, %dma_wait3A] : memref<2x10240x16xf32, #tpu.memory_space<hbm>> -> memref<1x640x16xf32, #tpu.memory_space<hbm>>
      %dma_wait3A_18 = tpu.memref_squeeze %dma_wait3A_17 : memref<1x640x16xf32, #tpu.memory_space<hbm>> -> memref<640x16xf32, #tpu.memory_space<hbm>>
      %dma_wait3A_19 = arith.constant 0 : i32
      %dma_wait3A_20 = tpu.memref_slice %arg8[%mul3A_10, %dma_wait3A_19] : memref<10240x16xf32, #tpu.memory_space<vmem_shared>> -> memref<640x16xf32, #tpu.memory_space<vmem_shared>>
      tpu.wait_dma2 semaphore(%run_scoped3A : memref<!tpu.dma_semaphore, #tpu.memory_space<semaphore_mem>>) src(%dma_wait3A_20 : memref<640x16xf32, #tpu.memory_space<vmem_shared>>) dst(%dma_wait3A_18 : memref<640x16xf32, #tpu.memory_space<hbm>>)
      tpu.yield
    }) : () -> ()
    return
  }
}

#map = affine_map<(d0, d1) -> (0)>
#map1 = affine_map<(d0, d1) -> (0, 0)>
#map2 = affine_map<(d0, d1) -> (0, 0, 0)>
module attributes {stable_mosaic.version = 14 : i64} {
  func.func @agg(%arg0: i32, %arg1: i32, %arg2: memref<323584xi32, #tpu.memory_space<hbm>>, %arg3: memref<323584xi32, #tpu.memory_space<hbm>>, %arg4: memref<10000x32xf32, #tpu.memory_space<hbm>>, %arg5: memref<640x32xf32, #tpu.memory_space<hbm>>, %arg6: memref<2x10240x32xf32, #tpu.memory_space<hbm>>, %arg7: memref<128xi32, #tpu.memory_space<vmem>>, %arg8: memref<128xi32, #tpu.memory_space<vmem>>, %arg9: memref<128x32xf32, #tpu.memory_space<vmem>>, %arg10: memref<10240x32xf32, #tpu.memory_space<vmem_shared>>, %arg11: memref<!tpu.dma_semaphore, #tpu.memory_space<semaphore_mem>>) attributes {dimension_semantics = [#tpu.dimension_semantics<core_parallel>, #tpu.dimension_semantics<subcore_parallel>], iteration_bounds = array<i64: 2, 16>, scalar_prefetch = 0 : i64, scratch_operands = 5 : i64, tpu.core_type = #tpu.core_type<sc_vector_subcore>, window_params = [{transform_indices = #map}, {transform_indices = #map}, {transform_indices = #map1}, {transform_indices = #map1}, {transform_indices = #map2}]} {
    %mul3A = arith.constant 2 : i32
    %mul3A_0 = arith.muli %arg1, %mul3A : i32
    %add3A = arith.addi %mul3A_0, %arg0 : i32
    %mul3A_1 = arith.constant 640 : i32
    %mul3A_2 = arith.muli %arg1, %mul3A_1 : i32
    "tpu.region"() ({
      %run_scoped3A = tpu.sem_alloc : memref<!tpu.dma_semaphore, #tpu.memory_space<semaphore_mem>>
      %dma_start3A = arith.constant 0 : i32
      %dma_start3A_13 = tpu.memref_slice %arg10[%mul3A_2, %dma_start3A] : memref<10240x32xf32, #tpu.memory_space<vmem_shared>> -> memref<640x32xf32, #tpu.memory_space<vmem_shared>>
      tpu.enqueue_dma source(%arg5 : memref<640x32xf32, #tpu.memory_space<hbm>>) target(%dma_start3A_13 : memref<640x32xf32, #tpu.memory_space<vmem_shared>>) target_semaphore(%run_scoped3A : memref<!tpu.dma_semaphore, #tpu.memory_space<semaphore_mem>>)
      %dma_wait3A = arith.constant 0 : i32
      %dma_wait3A_14 = tpu.memref_slice %arg10[%mul3A_2, %dma_wait3A] : memref<10240x32xf32, #tpu.memory_space<vmem_shared>> -> memref<640x32xf32, #tpu.memory_space<vmem_shared>>
      tpu.wait_dma2 semaphore(%run_scoped3A : memref<!tpu.dma_semaphore, #tpu.memory_space<semaphore_mem>>) src(%arg5 : memref<640x32xf32, #tpu.memory_space<hbm>>) dst(%dma_wait3A_14 : memref<640x32xf32, #tpu.memory_space<vmem_shared>>)
      tpu.yield
    }) : () -> ()
    %barrier3A = arith.constant 0 : index
    tpu.barrier barrier_id(%barrier3A)
    %scan3A = arith.constant 0 : i32
    %scan3A_3 = arith.constant 0 : i32
    %scan3A_4 = arith.constant 79 : i32
    %scan3A_5 = arith.addi %scan3A_3, %scan3A_4 : i32
    %scan3A_6 = arith.constant 1 : i32
    scf.for %scan3A_13 = %scan3A_3 to %scan3A_5 step %scan3A_6  : i32 {
      %mul3A_14 = arith.constant 10112 : i32
      %mul3A_15 = arith.muli %add3A, %mul3A_14 : i32
      %mul3A_16 = arith.constant 128 : i32
      %mul3A_17 = arith.muli %scan3A_13, %mul3A_16 : i32
      %add3A_18 = arith.addi %mul3A_15, %mul3A_17 : i32
      "tpu.region"() ({
        %run_scoped3A = tpu.sem_alloc : memref<!tpu.dma_semaphore, #tpu.memory_space<semaphore_mem>>
        %dma_start3A_23 = tpu.memref_slice %arg2[%add3A_18] : memref<323584xi32, #tpu.memory_space<hbm>> -> memref<128xi32, #tpu.memory_space<hbm>>
        %dma_start3A_24 = tpu.memref_slice %arg2[%add3A_18] : memref<323584xi32, #tpu.memory_space<hbm>> -> memref<128xi32, #tpu.memory_space<hbm>>
        tpu.enqueue_dma source(%dma_start3A_24 : memref<128xi32, #tpu.memory_space<hbm>>) target(%arg7 : memref<128xi32, #tpu.memory_space<vmem>>) target_semaphore(%run_scoped3A : memref<!tpu.dma_semaphore, #tpu.memory_space<semaphore_mem>>)
        %dma_wait3A_25 = tpu.memref_slice %arg2[%add3A_18] : memref<323584xi32, #tpu.memory_space<hbm>> -> memref<128xi32, #tpu.memory_space<hbm>>
        %dma_wait3A_26 = tpu.memref_slice %arg2[%add3A_18] : memref<323584xi32, #tpu.memory_space<hbm>> -> memref<128xi32, #tpu.memory_space<hbm>>
        tpu.wait_dma2 semaphore(%run_scoped3A : memref<!tpu.dma_semaphore, #tpu.memory_space<semaphore_mem>>) src(%dma_wait3A_26 : memref<128xi32, #tpu.memory_space<hbm>>) dst(%arg7 : memref<128xi32, #tpu.memory_space<vmem>>)
        tpu.yield
      }) : () -> ()
      "tpu.region"() ({
        %run_scoped3A = tpu.sem_alloc : memref<!tpu.dma_semaphore, #tpu.memory_space<semaphore_mem>>
        %dma_start3A_23 = tpu.memref_slice %arg3[%add3A_18] : memref<323584xi32, #tpu.memory_space<hbm>> -> memref<128xi32, #tpu.memory_space<hbm>>
        %dma_start3A_24 = tpu.memref_slice %arg3[%add3A_18] : memref<323584xi32, #tpu.memory_space<hbm>> -> memref<128xi32, #tpu.memory_space<hbm>>
        tpu.enqueue_dma source(%dma_start3A_24 : memref<128xi32, #tpu.memory_space<hbm>>) target(%arg8 : memref<128xi32, #tpu.memory_space<vmem>>) target_semaphore(%run_scoped3A : memref<!tpu.dma_semaphore, #tpu.memory_space<semaphore_mem>>)
        %dma_wait3A_25 = tpu.memref_slice %arg3[%add3A_18] : memref<323584xi32, #tpu.memory_space<hbm>> -> memref<128xi32, #tpu.memory_space<hbm>>
        %dma_wait3A_26 = tpu.memref_slice %arg3[%add3A_18] : memref<323584xi32, #tpu.memory_space<hbm>> -> memref<128xi32, #tpu.memory_space<hbm>>
        tpu.wait_dma2 semaphore(%run_scoped3A : memref<!tpu.dma_semaphore, #tpu.memory_space<semaphore_mem>>) src(%dma_wait3A_26 : memref<128xi32, #tpu.memory_space<hbm>>) dst(%arg8 : memref<128xi32, #tpu.memory_space<vmem>>)
        tpu.yield
      }) : () -> ()
      %dma_start3A = arith.constant 0 : i32
      %dma_start3A_19 = arith.constant 0 : i32
      %dma_start3A_20 = tpu.memref_slice %arg4[%dma_start3A, %dma_start3A_19] : memref<10000x32xf32, #tpu.memory_space<hbm>> -> memref<10000x32xf32, #tpu.memory_space<hbm>>
      tpu.enqueue_indirect_dma source(%dma_start3A_20 : memref<10000x32xf32, #tpu.memory_space<hbm>>) target(%arg9 : memref<128x32xf32, #tpu.memory_space<vmem>>) offsets(%arg7 : memref<128xi32, #tpu.memory_space<vmem>>) semaphore(%arg11 : memref<!tpu.dma_semaphore, #tpu.memory_space<semaphore_mem>>)
      %dma_wait3A = arith.constant 0 : i32
      %dma_wait3A_21 = arith.constant 0 : i32
      %dma_wait3A_22 = tpu.memref_slice %arg4[%dma_wait3A, %dma_wait3A_21] : memref<10000x32xf32, #tpu.memory_space<hbm>> -> memref<10000x32xf32, #tpu.memory_space<hbm>>
      tpu.wait_indirect_dma semaphore(%arg11 : memref<!tpu.dma_semaphore, #tpu.memory_space<semaphore_mem>>) src(%dma_wait3A_22 : memref<10000x32xf32, #tpu.memory_space<hbm>>) dst(%arg9 : memref<128x32xf32, #tpu.memory_space<vmem>>)
      "tpu.region"() ({
        %run_scoped3A = tpu.sem_alloc : memref<!tpu.dma_semaphore, #tpu.memory_space<semaphore_mem>>
        %dma_start3A_23 = arith.constant 0 : i32
        %dma_start3A_24 = arith.constant 0 : i32
        %dma_start3A_25 = tpu.memref_slice %arg10[%dma_start3A_23, %dma_start3A_24] : memref<10240x32xf32, #tpu.memory_space<vmem_shared>> -> memref<10240x32xf32, #tpu.memory_space<vmem_shared>>
        tpu.enqueue_indirect_dma source(%arg9 : memref<128x32xf32, #tpu.memory_space<vmem>>) target(%dma_start3A_25 : memref<10240x32xf32, #tpu.memory_space<vmem_shared>>) offsets(%arg8 : memref<128xi32, #tpu.memory_space<vmem>>) semaphore(%run_scoped3A : memref<!tpu.dma_semaphore, #tpu.memory_space<semaphore_mem>>) {add = true}
        %dma_wait3A_26 = arith.constant 0 : i32
        %dma_wait3A_27 = arith.constant 0 : i32
        %dma_wait3A_28 = tpu.memref_slice %arg10[%dma_wait3A_26, %dma_wait3A_27] : memref<10240x32xf32, #tpu.memory_space<vmem_shared>> -> memref<10240x32xf32, #tpu.memory_space<vmem_shared>>
        tpu.wait_indirect_dma semaphore(%run_scoped3A : memref<!tpu.dma_semaphore, #tpu.memory_space<semaphore_mem>>) src(%arg9 : memref<128x32xf32, #tpu.memory_space<vmem>>) dst(%dma_wait3A_28 : memref<10240x32xf32, #tpu.memory_space<vmem_shared>>)
        tpu.yield
      }) : () -> ()
    }
    %scan3A_7 = arith.constant 79 : i32
    %barrier3A_8 = arith.constant 0 : index
    tpu.barrier barrier_id(%barrier3A_8)
    %mul3A_9 = arith.constant 640 : i32
    %mul3A_10 = arith.muli %arg1, %mul3A_9 : i32
    %mul3A_11 = arith.constant 640 : i32
    %mul3A_12 = arith.muli %arg1, %mul3A_11 : i32
    "tpu.region"() ({
      %run_scoped3A = tpu.sem_alloc : memref<!tpu.dma_semaphore, #tpu.memory_space<semaphore_mem>>
      %dma_start3A = arith.constant 0 : i32
      %dma_start3A_13 = tpu.memref_slice %arg6[%arg0, %mul3A_12, %dma_start3A] : memref<2x10240x32xf32, #tpu.memory_space<hbm>> -> memref<1x640x32xf32, #tpu.memory_space<hbm>>
      %dma_start3A_14 = tpu.memref_squeeze %dma_start3A_13 : memref<1x640x32xf32, #tpu.memory_space<hbm>> -> memref<640x32xf32, #tpu.memory_space<hbm>>
      %dma_start3A_15 = arith.constant 0 : i32
      %dma_start3A_16 = tpu.memref_slice %arg10[%mul3A_10, %dma_start3A_15] : memref<10240x32xf32, #tpu.memory_space<vmem_shared>> -> memref<640x32xf32, #tpu.memory_space<vmem_shared>>
      tpu.enqueue_dma source(%dma_start3A_16 : memref<640x32xf32, #tpu.memory_space<vmem_shared>>) target(%dma_start3A_14 : memref<640x32xf32, #tpu.memory_space<hbm>>) target_semaphore(%run_scoped3A : memref<!tpu.dma_semaphore, #tpu.memory_space<semaphore_mem>>)
      %dma_wait3A = arith.constant 0 : i32
      %dma_wait3A_17 = tpu.memref_slice %arg6[%arg0, %mul3A_12, %dma_wait3A] : memref<2x10240x32xf32, #tpu.memory_space<hbm>> -> memref<1x640x32xf32, #tpu.memory_space<hbm>>
      %dma_wait3A_18 = tpu.memref_squeeze %dma_wait3A_17 : memref<1x640x32xf32, #tpu.memory_space<hbm>> -> memref<640x32xf32, #tpu.memory_space<hbm>>
      %dma_wait3A_19 = arith.constant 0 : i32
      %dma_wait3A_20 = tpu.memref_slice %arg10[%mul3A_10, %dma_wait3A_19] : memref<10240x32xf32, #tpu.memory_space<vmem_shared>> -> memref<640x32xf32, #tpu.memory_space<vmem_shared>>
      tpu.wait_dma2 semaphore(%run_scoped3A : memref<!tpu.dma_semaphore, #tpu.memory_space<semaphore_mem>>) src(%dma_wait3A_20 : memref<640x32xf32, #tpu.memory_space<vmem_shared>>) dst(%dma_wait3A_18 : memref<640x32xf32, #tpu.memory_space<hbm>>)
      tpu.yield
    }) : () -> ()
    return
  }
}

module attributes {stable_mosaic.version = 14 : i64} {
  func.func @body(%arg0: i32, %arg1: memref<2000x128xf32, #tpu.memory_space<vmem>>, %arg2: memref<128x128xf32, #tpu.memory_space<vmem>>, %arg3: memref<2x2000x16xf32, #tpu.memory_space<vmem>>, %arg4: memref<2000x128xf32, #tpu.memory_space<vmem>>) attributes {dimension_semantics = [#tpu.dimension_semantics<arbitrary>], iteration_bounds = array<i64: 5>, scalar_prefetch = 0 : i64, scratch_operands = 0 : i64, tpu.core_type = #tpu.core_type<tc>, window_params = [{transform_indices = @transform_0, window_bounds = array<i64: 2000, 128>}, {pipeline_mode = #tpu.pipeline_mode<synchronous>, transform_indices = @transform_1, window_bounds = array<i64: 128, 128>}, {transform_indices = @transform_2, window_bounds = array<i64: 2, 2000, 16>}, {transform_indices = @transform_3, window_bounds = array<i64: 2000, 128>}]} {
    %get3A = arith.constant 0 : index
    %get3A_0 = arith.constant 0 : index
    %get3A_1 = arith.constant 0 : index
    %get3A_2 = vector.load %arg3[%get3A, %get3A_0, %get3A_1] : memref<2x2000x16xf32, #tpu.memory_space<vmem>>, vector<1x2000x1xf32>
    %get3A_3 = vector.shape_cast %get3A_2 : vector<1x2000x1xf32> to vector<2000x1xf32>
    %get3A_4 = arith.constant 1 : index
    %get3A_5 = arith.constant 0 : index
    %get3A_6 = arith.constant 0 : index
    %get3A_7 = vector.load %arg3[%get3A_4, %get3A_5, %get3A_6] : memref<2x2000x16xf32, #tpu.memory_space<vmem>>, vector<1x2000x1xf32>
    %get3A_8 = vector.shape_cast %get3A_7 : vector<1x2000x1xf32> to vector<2000x1xf32>
    %add3A = arith.addf %get3A_3, %get3A_8 : vector<2000x1xf32>
    %add3A_9 = arith.constant 1.000000e+00 : f32
    %add3A_10 = vector.broadcast %add3A_9 : f32 to vector<2000x1xf32>
    %add3A_11 = arith.addf %add3A, %add3A_10 : vector<2000x1xf32>
    %rsqrt3A = math.rsqrt %add3A_11 : vector<2000x1xf32>
    %get3A_12 = arith.constant 0 : index
    %get3A_13 = arith.constant 0 : index
    %get3A_14 = vector.load %arg1[%get3A_12, %get3A_13] : memref<2000x128xf32, #tpu.memory_space<vmem>>, vector<2000x128xf32>
    %get3A_15 = arith.constant 0 : index
    %get3A_16 = arith.constant 0 : index
    %get3A_17 = vector.load %arg2[%get3A_15, %get3A_16] : memref<128x128xf32, #tpu.memory_space<vmem>>, vector<128x128xf32>
    %dot_general3A = arith.constant dense<0.000000e+00> : vector<2000x128xf32>
    %dot_general3A_18 = tpu.matmul %get3A_14, %get3A_17, %dot_general3A {dimension_numbers = #tpu.dot_dimension_numbers<[1], [0], [0], [1], [0, 0, 1, 1], [], []>, transpose_lhs_hint = false} : vector<2000x128xf32>, vector<128x128xf32>, vector<2000x128xf32> -> vector<2000x128xf32>
    %mul3A = vector.broadcast %rsqrt3A : vector<2000x1xf32> to vector<2000x128xf32>
    %mul3A_19 = arith.mulf %dot_general3A_18, %mul3A : vector<2000x128xf32>
    %swap3A = arith.constant 0 : index
    %swap3A_20 = arith.constant 0 : index
    %swap3A_21 = vector.load %arg4[%swap3A, %swap3A_20] : memref<2000x128xf32, #tpu.memory_space<vmem>>, vector<2000x128xf32>
    tpu.vector_store %arg4[%swap3A, %swap3A_20], %mul3A_19 {strides = array<i32>} : memref<2000x128xf32, #tpu.memory_space<vmem>>, vector<2000x128xf32>,
    return
  }
  func.func @transform_0(%arg0: i32) -> (i32, i32) {
    %c0_i32 = arith.constant 0 : i32
    %c0_i32_0 = arith.constant 0 : i32
    return %arg0, %c0_i32 : i32, i32
  }
  func.func @transform_1(%arg0: i32) -> (i32, i32) {
    %c0_i32 = arith.constant 0 : i32
    %c0_i32_0 = arith.constant 0 : i32
    %c0_i32_1 = arith.constant 0 : i32
    return %c0_i32, %c0_i32_0 : i32, i32
  }
  func.func @transform_2(%arg0: i32) -> (i32, i32, i32) {
    %c0_i32 = arith.constant 0 : i32
    %c0_i32_0 = arith.constant 0 : i32
    %c0_i32_1 = arith.constant 0 : i32
    return %c0_i32, %arg0, %c0_i32_0 : i32, i32, i32
  }
  func.func @transform_3(%arg0: i32) -> (i32, i32) {
    %c0_i32 = arith.constant 0 : i32
    %c0_i32_0 = arith.constant 0 : i32
    return %arg0, %c0_i32 : i32, i32
  }
}

module attributes {stable_mosaic.version = 14 : i64} {
  func.func @body(%arg0: i32, %arg1: memref<2x2000x128xf32, #tpu.memory_space<vmem>>, %arg2: memref<2000x128xf32, #tpu.memory_space<vmem>>, %arg3: memref<2x2000x16xf32, #tpu.memory_space<vmem>>, %arg4: memref<1x128xf32, #tpu.memory_space<vmem>>, %arg5: memref<128x64xf32, #tpu.memory_space<vmem>>, %arg6: memref<2000x64xf32, #tpu.memory_space<vmem>>) attributes {dimension_semantics = [#tpu.dimension_semantics<arbitrary>], iteration_bounds = array<i64: 5>, scalar_prefetch = 0 : i64, scratch_operands = 0 : i64, tpu.core_type = #tpu.core_type<tc>, window_params = [{transform_indices = @transform_0, window_bounds = array<i64: 2, 2000, 128>}, {transform_indices = @transform_1, window_bounds = array<i64: 2000, 128>}, {transform_indices = @transform_2, window_bounds = array<i64: 2, 2000, 16>}, {pipeline_mode = #tpu.pipeline_mode<synchronous>, transform_indices = @transform_3, window_bounds = array<i64: 1, 128>}, {pipeline_mode = #tpu.pipeline_mode<synchronous>, transform_indices = @transform_4, window_bounds = array<i64: 128, 64>}, {transform_indices = @transform_5, window_bounds = array<i64: 2000, 64>}]} {
    %get3A = arith.constant 0 : index
    %get3A_0 = arith.constant 0 : index
    %get3A_1 = arith.constant 0 : index
    %get3A_2 = vector.load %arg3[%get3A, %get3A_0, %get3A_1] : memref<2x2000x16xf32, #tpu.memory_space<vmem>>, vector<1x2000x1xf32>
    %get3A_3 = vector.shape_cast %get3A_2 : vector<1x2000x1xf32> to vector<2000x1xf32>
    %get3A_4 = arith.constant 1 : index
    %get3A_5 = arith.constant 0 : index
    %get3A_6 = arith.constant 0 : index
    %get3A_7 = vector.load %arg3[%get3A_4, %get3A_5, %get3A_6] : memref<2x2000x16xf32, #tpu.memory_space<vmem>>, vector<1x2000x1xf32>
    %get3A_8 = vector.shape_cast %get3A_7 : vector<1x2000x1xf32> to vector<2000x1xf32>
    %add3A = arith.addf %get3A_3, %get3A_8 : vector<2000x1xf32>
    %add3A_9 = arith.constant 1.000000e+00 : f32
    %add3A_10 = vector.broadcast %add3A_9 : f32 to vector<2000x1xf32>
    %add3A_11 = arith.addf %add3A, %add3A_10 : vector<2000x1xf32>
    %rsqrt3A = math.rsqrt %add3A_11 : vector<2000x1xf32>
    %get3A_12 = arith.constant 0 : index
    %get3A_13 = arith.constant 0 : index
    %get3A_14 = arith.constant 0 : index
    %get3A_15 = vector.load %arg1[%get3A_12, %get3A_13, %get3A_14] : memref<2x2000x128xf32, #tpu.memory_space<vmem>>, vector<1x2000x128xf32>
    %get3A_16 = vector.shape_cast %get3A_15 : vector<1x2000x128xf32> to vector<2000x128xf32>
    %get3A_17 = arith.constant 1 : index
    %get3A_18 = arith.constant 0 : index
    %get3A_19 = arith.constant 0 : index
    %get3A_20 = vector.load %arg1[%get3A_17, %get3A_18, %get3A_19] : memref<2x2000x128xf32, #tpu.memory_space<vmem>>, vector<1x2000x128xf32>
    %get3A_21 = vector.shape_cast %get3A_20 : vector<1x2000x128xf32> to vector<2000x128xf32>
    %add3A_22 = arith.addf %get3A_16, %get3A_21 : vector<2000x128xf32>
    %get3A_23 = arith.constant 0 : index
    %get3A_24 = arith.constant 0 : index
    %get3A_25 = vector.load %arg2[%get3A_23, %get3A_24] : memref<2000x128xf32, #tpu.memory_space<vmem>>, vector<2000x128xf32>
    %add3A_26 = arith.addf %add3A_22, %get3A_25 : vector<2000x128xf32>
    %mul3A = vector.broadcast %rsqrt3A : vector<2000x1xf32> to vector<2000x128xf32>
    %mul3A_27 = arith.mulf %mul3A, %add3A_26 : vector<2000x128xf32>
    %get3A_28 = arith.constant 0 : index
    %get3A_29 = arith.constant 0 : index
    %get3A_30 = vector.load %arg4[%get3A_28, %get3A_29] : memref<1x128xf32, #tpu.memory_space<vmem>>, vector<1x128xf32>
    %add3A_31 = vector.broadcast %get3A_30 : vector<1x128xf32> to vector<2000x128xf32>
    %add3A_32 = arith.addf %mul3A_27, %add3A_31 : vector<2000x128xf32>
    %max3A = arith.constant 0.000000e+00 : f32
    %max3A_33 = vector.broadcast %max3A : f32 to vector<2000x128xf32>
    %max3A_34 = arith.maximumf %add3A_32, %max3A_33 : vector<2000x128xf32>
    %get3A_35 = arith.constant 0 : index
    %get3A_36 = arith.constant 0 : index
    %get3A_37 = vector.load %arg5[%get3A_35, %get3A_36] : memref<128x64xf32, #tpu.memory_space<vmem>>, vector<128x64xf32>
    %dot_general3A = arith.constant dense<0.000000e+00> : vector<2000x64xf32>
    %dot_general3A_38 = tpu.matmul %max3A_34, %get3A_37, %dot_general3A {dimension_numbers = #tpu.dot_dimension_numbers<[1], [0], [0], [1], [0, 0, 1, 1], [], []>, transpose_lhs_hint = false} : vector<2000x128xf32>, vector<128x64xf32>, vector<2000x64xf32> -> vector<2000x64xf32>
    %mul3A_39 = vector.broadcast %rsqrt3A : vector<2000x1xf32> to vector<2000x64xf32>
    %mul3A_40 = arith.mulf %dot_general3A_38, %mul3A_39 : vector<2000x64xf32>
    %swap3A = arith.constant 0 : index
    %swap3A_41 = arith.constant 0 : index
    %swap3A_42 = vector.load %arg6[%swap3A, %swap3A_41] : memref<2000x64xf32, #tpu.memory_space<vmem>>, vector<2000x64xf32>
    tpu.vector_store %arg6[%swap3A, %swap3A_41], %mul3A_40 {strides = array<i32>} : memref<2000x64xf32, #tpu.memory_space<vmem>>, vector<2000x64xf32>,
    return
  }
  func.func @transform_0(%arg0: i32) -> (i32, i32, i32) {
    %c0_i32 = arith.constant 0 : i32
    %c0_i32_0 = arith.constant 0 : i32
    %c0_i32_1 = arith.constant 0 : i32
    return %c0_i32, %arg0, %c0_i32_0 : i32, i32, i32
  }
  func.func @transform_1(%arg0: i32) -> (i32, i32) {
    %c0_i32 = arith.constant 0 : i32
    %c0_i32_0 = arith.constant 0 : i32
    return %arg0, %c0_i32 : i32, i32
  }
  func.func @transform_2(%arg0: i32) -> (i32, i32, i32) {
    %c0_i32 = arith.constant 0 : i32
    %c0_i32_0 = arith.constant 0 : i32
    %c0_i32_1 = arith.constant 0 : i32
    return %c0_i32, %arg0, %c0_i32_0 : i32, i32, i32
  }
  func.func @transform_3(%arg0: i32) -> (i32, i32) {
    %c0_i32 = arith.constant 0 : i32
    %c0_i32_0 = arith.constant 0 : i32
    %c0_i32_1 = arith.constant 0 : i32
    return %c0_i32, %c0_i32_0 : i32, i32
  }
  func.func @transform_4(%arg0: i32) -> (i32, i32) {
    %c0_i32 = arith.constant 0 : i32
    %c0_i32_0 = arith.constant 0 : i32
    %c0_i32_1 = arith.constant 0 : i32
    return %c0_i32, %c0_i32_0 : i32, i32
  }
  func.func @transform_5(%arg0: i32) -> (i32, i32) {
    %c0_i32 = arith.constant 0 : i32
    %c0_i32_0 = arith.constant 0 : i32
    return %arg0, %c0_i32 : i32, i32
  }
}

module attributes {stable_mosaic.version = 14 : i64} {
  func.func @body(%arg0: i32, %arg1: memref<2x2000x64xf32, #tpu.memory_space<vmem>>, %arg2: memref<2000x64xf32, #tpu.memory_space<vmem>>, %arg3: memref<2x2000x16xf32, #tpu.memory_space<vmem>>, %arg4: memref<1x64xf32, #tpu.memory_space<vmem>>, %arg5: memref<64x32xf32, #tpu.memory_space<vmem>>, %arg6: memref<2000x32xf32, #tpu.memory_space<vmem>>) attributes {dimension_semantics = [#tpu.dimension_semantics<arbitrary>], iteration_bounds = array<i64: 5>, scalar_prefetch = 0 : i64, scratch_operands = 0 : i64, tpu.core_type = #tpu.core_type<tc>, window_params = [{transform_indices = @transform_0, window_bounds = array<i64: 2, 2000, 64>}, {transform_indices = @transform_1, window_bounds = array<i64: 2000, 64>}, {transform_indices = @transform_2, window_bounds = array<i64: 2, 2000, 16>}, {pipeline_mode = #tpu.pipeline_mode<synchronous>, transform_indices = @transform_3, window_bounds = array<i64: 1, 64>}, {pipeline_mode = #tpu.pipeline_mode<synchronous>, transform_indices = @transform_4, window_bounds = array<i64: 64, 32>}, {transform_indices = @transform_5, window_bounds = array<i64: 2000, 32>}]} {
    %get3A = arith.constant 0 : index
    %get3A_0 = arith.constant 0 : index
    %get3A_1 = arith.constant 0 : index
    %get3A_2 = vector.load %arg3[%get3A, %get3A_0, %get3A_1] : memref<2x2000x16xf32, #tpu.memory_space<vmem>>, vector<1x2000x1xf32>
    %get3A_3 = vector.shape_cast %get3A_2 : vector<1x2000x1xf32> to vector<2000x1xf32>
    %get3A_4 = arith.constant 1 : index
    %get3A_5 = arith.constant 0 : index
    %get3A_6 = arith.constant 0 : index
    %get3A_7 = vector.load %arg3[%get3A_4, %get3A_5, %get3A_6] : memref<2x2000x16xf32, #tpu.memory_space<vmem>>, vector<1x2000x1xf32>
    %get3A_8 = vector.shape_cast %get3A_7 : vector<1x2000x1xf32> to vector<2000x1xf32>
    %add3A = arith.addf %get3A_3, %get3A_8 : vector<2000x1xf32>
    %add3A_9 = arith.constant 1.000000e+00 : f32
    %add3A_10 = vector.broadcast %add3A_9 : f32 to vector<2000x1xf32>
    %add3A_11 = arith.addf %add3A, %add3A_10 : vector<2000x1xf32>
    %rsqrt3A = math.rsqrt %add3A_11 : vector<2000x1xf32>
    %get3A_12 = arith.constant 0 : index
    %get3A_13 = arith.constant 0 : index
    %get3A_14 = arith.constant 0 : index
    %get3A_15 = vector.load %arg1[%get3A_12, %get3A_13, %get3A_14] : memref<2x2000x64xf32, #tpu.memory_space<vmem>>, vector<1x2000x64xf32>
    %get3A_16 = vector.shape_cast %get3A_15 : vector<1x2000x64xf32> to vector<2000x64xf32>
    %get3A_17 = arith.constant 1 : index
    %get3A_18 = arith.constant 0 : index
    %get3A_19 = arith.constant 0 : index
    %get3A_20 = vector.load %arg1[%get3A_17, %get3A_18, %get3A_19] : memref<2x2000x64xf32, #tpu.memory_space<vmem>>, vector<1x2000x64xf32>
    %get3A_21 = vector.shape_cast %get3A_20 : vector<1x2000x64xf32> to vector<2000x64xf32>
    %add3A_22 = arith.addf %get3A_16, %get3A_21 : vector<2000x64xf32>
    %get3A_23 = arith.constant 0 : index
    %get3A_24 = arith.constant 0 : index
    %get3A_25 = vector.load %arg2[%get3A_23, %get3A_24] : memref<2000x64xf32, #tpu.memory_space<vmem>>, vector<2000x64xf32>
    %add3A_26 = arith.addf %add3A_22, %get3A_25 : vector<2000x64xf32>
    %mul3A = vector.broadcast %rsqrt3A : vector<2000x1xf32> to vector<2000x64xf32>
    %mul3A_27 = arith.mulf %mul3A, %add3A_26 : vector<2000x64xf32>
    %get3A_28 = arith.constant 0 : index
    %get3A_29 = arith.constant 0 : index
    %get3A_30 = vector.load %arg4[%get3A_28, %get3A_29] : memref<1x64xf32, #tpu.memory_space<vmem>>, vector<1x64xf32>
    %add3A_31 = vector.broadcast %get3A_30 : vector<1x64xf32> to vector<2000x64xf32>
    %add3A_32 = arith.addf %mul3A_27, %add3A_31 : vector<2000x64xf32>
    %max3A = arith.constant 0.000000e+00 : f32
    %max3A_33 = vector.broadcast %max3A : f32 to vector<2000x64xf32>
    %max3A_34 = arith.maximumf %add3A_32, %max3A_33 : vector<2000x64xf32>
    %get3A_35 = arith.constant 0 : index
    %get3A_36 = arith.constant 0 : index
    %get3A_37 = vector.load %arg5[%get3A_35, %get3A_36] : memref<64x32xf32, #tpu.memory_space<vmem>>, vector<64x32xf32>
    %dot_general3A = arith.constant dense<0.000000e+00> : vector<2000x32xf32>
    %dot_general3A_38 = tpu.matmul %max3A_34, %get3A_37, %dot_general3A {dimension_numbers = #tpu.dot_dimension_numbers<[1], [0], [0], [1], [0, 0, 1, 1], [], []>, transpose_lhs_hint = false} : vector<2000x64xf32>, vector<64x32xf32>, vector<2000x32xf32> -> vector<2000x32xf32>
    %mul3A_39 = vector.broadcast %rsqrt3A : vector<2000x1xf32> to vector<2000x32xf32>
    %mul3A_40 = arith.mulf %dot_general3A_38, %mul3A_39 : vector<2000x32xf32>
    %swap3A = arith.constant 0 : index
    %swap3A_41 = arith.constant 0 : index
    %swap3A_42 = vector.load %arg6[%swap3A, %swap3A_41] : memref<2000x32xf32, #tpu.memory_space<vmem>>, vector<2000x32xf32>
    tpu.vector_store %arg6[%swap3A, %swap3A_41], %mul3A_40 {strides = array<i32>} : memref<2000x32xf32, #tpu.memory_space<vmem>>, vector<2000x32xf32>,
    return
  }
  func.func @transform_0(%arg0: i32) -> (i32, i32, i32) {
    %c0_i32 = arith.constant 0 : i32
    %c0_i32_0 = arith.constant 0 : i32
    %c0_i32_1 = arith.constant 0 : i32
    return %c0_i32, %arg0, %c0_i32_0 : i32, i32, i32
  }
  func.func @transform_1(%arg0: i32) -> (i32, i32) {
    %c0_i32 = arith.constant 0 : i32
    %c0_i32_0 = arith.constant 0 : i32
    return %arg0, %c0_i32 : i32, i32
  }
  func.func @transform_2(%arg0: i32) -> (i32, i32, i32) {
    %c0_i32 = arith.constant 0 : i32
    %c0_i32_0 = arith.constant 0 : i32
    %c0_i32_1 = arith.constant 0 : i32
    return %c0_i32, %arg0, %c0_i32_0 : i32, i32, i32
  }
  func.func @transform_3(%arg0: i32) -> (i32, i32) {
    %c0_i32 = arith.constant 0 : i32
    %c0_i32_0 = arith.constant 0 : i32
    %c0_i32_1 = arith.constant 0 : i32
    return %c0_i32, %c0_i32_0 : i32, i32
  }
  func.func @transform_4(%arg0: i32) -> (i32, i32) {
    %c0_i32 = arith.constant 0 : i32
    %c0_i32_0 = arith.constant 0 : i32
    %c0_i32_1 = arith.constant 0 : i32
    return %c0_i32, %c0_i32_0 : i32, i32
  }
  func.func @transform_5(%arg0: i32) -> (i32, i32) {
    %c0_i32 = arith.constant 0 : i32
    %c0_i32_0 = arith.constant 0 : i32
    return %arg0, %c0_i32 : i32, i32
  }
}

module attributes {stable_mosaic.version = 14 : i64} {
  func.func @body(%arg0: i32, %arg1: memref<2x2000x32xf32, #tpu.memory_space<vmem>>, %arg2: memref<2000x32xf32, #tpu.memory_space<vmem>>, %arg3: memref<2x2000x16xf32, #tpu.memory_space<vmem>>, %arg4: memref<1x32xf32, #tpu.memory_space<vmem>>, %arg5: memref<32x10xf32, #tpu.memory_space<vmem>>, %arg6: memref<1x10xf32, #tpu.memory_space<vmem>>, %arg7: memref<1x10xf32, #tpu.memory_space<vmem>>, %arg8: memref<1x32xf32, #tpu.memory_space<vmem>>) attributes {dimension_semantics = [#tpu.dimension_semantics<arbitrary>], iteration_bounds = array<i64: 5>, scalar_prefetch = 0 : i64, scratch_operands = 1 : i64, tpu.core_type = #tpu.core_type<tc>, window_params = [{transform_indices = @transform_0, window_bounds = array<i64: 2, 2000, 32>}, {transform_indices = @transform_1, window_bounds = array<i64: 2000, 32>}, {transform_indices = @transform_2, window_bounds = array<i64: 2, 2000, 16>}, {pipeline_mode = #tpu.pipeline_mode<synchronous>, transform_indices = @transform_3, window_bounds = array<i64: 1, 32>}, {pipeline_mode = #tpu.pipeline_mode<synchronous>, transform_indices = @transform_4, window_bounds = array<i64: 32, 10>}, {pipeline_mode = #tpu.pipeline_mode<synchronous>, transform_indices = @transform_5, window_bounds = array<i64: 1, 10>}, {pipeline_mode = #tpu.pipeline_mode<synchronous>, transform_indices = @transform_6, window_bounds = array<i64: 1, 10>}]} {
    %get3A = arith.constant 0 : index
    %get3A_0 = arith.constant 0 : index
    %get3A_1 = arith.constant 0 : index
    %get3A_2 = vector.load %arg3[%get3A, %get3A_0, %get3A_1] : memref<2x2000x16xf32, #tpu.memory_space<vmem>>, vector<1x2000x1xf32>
    %get3A_3 = vector.shape_cast %get3A_2 : vector<1x2000x1xf32> to vector<2000x1xf32>
    %get3A_4 = arith.constant 1 : index
    %get3A_5 = arith.constant 0 : index
    %get3A_6 = arith.constant 0 : index
    %get3A_7 = vector.load %arg3[%get3A_4, %get3A_5, %get3A_6] : memref<2x2000x16xf32, #tpu.memory_space<vmem>>, vector<1x2000x1xf32>
    %get3A_8 = vector.shape_cast %get3A_7 : vector<1x2000x1xf32> to vector<2000x1xf32>
    %add3A = arith.addf %get3A_3, %get3A_8 : vector<2000x1xf32>
    %add3A_9 = arith.constant 1.000000e+00 : f32
    %add3A_10 = vector.broadcast %add3A_9 : f32 to vector<2000x1xf32>
    %add3A_11 = arith.addf %add3A, %add3A_10 : vector<2000x1xf32>
    %rsqrt3A = math.rsqrt %add3A_11 : vector<2000x1xf32>
    %get3A_12 = arith.constant 0 : index
    %get3A_13 = arith.constant 0 : index
    %get3A_14 = arith.constant 0 : index
    %get3A_15 = vector.load %arg1[%get3A_12, %get3A_13, %get3A_14] : memref<2x2000x32xf32, #tpu.memory_space<vmem>>, vector<1x2000x32xf32>
    %get3A_16 = vector.shape_cast %get3A_15 : vector<1x2000x32xf32> to vector<2000x32xf32>
    %get3A_17 = arith.constant 1 : index
    %get3A_18 = arith.constant 0 : index
    %get3A_19 = arith.constant 0 : index
    %get3A_20 = vector.load %arg1[%get3A_17, %get3A_18, %get3A_19] : memref<2x2000x32xf32, #tpu.memory_space<vmem>>, vector<1x2000x32xf32>
    %get3A_21 = vector.shape_cast %get3A_20 : vector<1x2000x32xf32> to vector<2000x32xf32>
    %add3A_22 = arith.addf %get3A_16, %get3A_21 : vector<2000x32xf32>
    %get3A_23 = arith.constant 0 : index
    %get3A_24 = arith.constant 0 : index
    %get3A_25 = vector.load %arg2[%get3A_23, %get3A_24] : memref<2000x32xf32, #tpu.memory_space<vmem>>, vector<2000x32xf32>
    %add3A_26 = arith.addf %add3A_22, %get3A_25 : vector<2000x32xf32>
    %mul3A = vector.broadcast %rsqrt3A : vector<2000x1xf32> to vector<2000x32xf32>
    %mul3A_27 = arith.mulf %mul3A, %add3A_26 : vector<2000x32xf32>
    %get3A_28 = arith.constant 0 : index
    %get3A_29 = arith.constant 0 : index
    %get3A_30 = vector.load %arg4[%get3A_28, %get3A_29] : memref<1x32xf32, #tpu.memory_space<vmem>>, vector<1x32xf32>
    %add3A_31 = vector.broadcast %get3A_30 : vector<1x32xf32> to vector<2000x32xf32>
    %add3A_32 = arith.addf %mul3A_27, %add3A_31 : vector<2000x32xf32>
    %max3A = arith.constant 0.000000e+00 : f32
    %max3A_33 = vector.broadcast %max3A : f32 to vector<2000x32xf32>
    %max3A_34 = arith.maximumf %add3A_32, %max3A_33 : vector<2000x32xf32>
    %reduce_max3A = arith.constant dense<0xFF800000> : vector<32xf32>
    %reduce_max3A_35 = vector.multi_reduction <maximumf>, %max3A_34, %reduce_max3A [0] : vector<2000x32xf32> to vector<32xf32>
    %broadcast_in_dim3A = vector.shape_cast %reduce_max3A_35 : vector<32xf32> to vector<1x32xf32>
    %eq3A = arith.constant 0 : i32
    %eq3A_36 = arith.cmpi eq, %arg0, %eq3A : i32
    %convert_element_type3A = arith.extui %eq3A_36 : i1 to i32
    %cond3A = arith.constant 0 : i32
    %cond3A_37 = arith.cmpi ne, %convert_element_type3A, %cond3A : i32
    scf.if %cond3A_37 {
      %swap3A = arith.constant 0 : index
      %swap3A_47 = arith.constant 0 : index
      %swap3A_48 = vector.load %arg8[%swap3A, %swap3A_47] : memref<1x32xf32, #tpu.memory_space<vmem>>, vector<1x32xf32>
      tpu.vector_store %arg8[%swap3A, %swap3A_47], %broadcast_in_dim3A {strides = array<i32>} : memref<1x32xf32, #tpu.memory_space<vmem>>, vector<1x32xf32>,
    } else {
    }
    %gt3A = arith.constant 0 : i32
    %gt3A_38 = arith.cmpi sgt, %arg0, %gt3A : i32
    %convert_element_type3A_39 = arith.extui %gt3A_38 : i1 to i32
    %cond3A_40 = arith.constant 0 : i32
    %cond3A_41 = arith.cmpi ne, %convert_element_type3A_39, %cond3A_40 : i32
    scf.if %cond3A_41 {
      %get3A_47 = arith.constant 0 : index
      %get3A_48 = arith.constant 0 : index
      %get3A_49 = vector.load %arg8[%get3A_47, %get3A_48] : memref<1x32xf32, #tpu.memory_space<vmem>>, vector<1x32xf32>
      %max3A_50 = arith.maximumf %get3A_49, %broadcast_in_dim3A : vector<1x32xf32>
      %swap3A = arith.constant 0 : index
      %swap3A_51 = arith.constant 0 : index
      %swap3A_52 = vector.load %arg8[%swap3A, %swap3A_51] : memref<1x32xf32, #tpu.memory_space<vmem>>, vector<1x32xf32>
      tpu.vector_store %arg8[%swap3A, %swap3A_51], %max3A_50 {strides = array<i32>} : memref<1x32xf32, #tpu.memory_space<vmem>>, vector<1x32xf32>,
    } else {
    }
    %eq3A_42 = arith.constant 4 : i32
    %eq3A_43 = arith.cmpi eq, %arg0, %eq3A_42 : i32
    %convert_element_type3A_44 = arith.extui %eq3A_43 : i1 to i32
    %cond3A_45 = arith.constant 0 : i32
    %cond3A_46 = arith.cmpi ne, %convert_element_type3A_44, %cond3A_45 : i32
    scf.if %cond3A_46 {
      %get3A_47 = arith.constant 0 : index
      %get3A_48 = arith.constant 0 : index
      %get3A_49 = vector.load %arg8[%get3A_47, %get3A_48] : memref<1x32xf32, #tpu.memory_space<vmem>>, vector<1x32xf32>
      %get3A_50 = arith.constant 0 : index
      %get3A_51 = arith.constant 0 : index
      %get3A_52 = vector.load %arg5[%get3A_50, %get3A_51] : memref<32x10xf32, #tpu.memory_space<vmem>>, vector<32x10xf32>
      %dot_general3A = arith.constant dense<0.000000e+00> : vector<1x10xf32>
      %dot_general3A_53 = tpu.matmul %get3A_49, %get3A_52, %dot_general3A {dimension_numbers = #tpu.dot_dimension_numbers<[1], [0], [0], [1], [0, 0, 1, 1], [], []>, transpose_lhs_hint = false} : vector<1x32xf32>, vector<32x10xf32>, vector<1x10xf32> -> vector<1x10xf32>
      %get3A_54 = arith.constant 0 : index
      %get3A_55 = arith.constant 0 : index
      %get3A_56 = vector.load %arg6[%get3A_54, %get3A_55] : memref<1x10xf32, #tpu.memory_space<vmem>>, vector<1x10xf32>
      %add3A_57 = arith.addf %dot_general3A_53, %get3A_56 : vector<1x10xf32>
      %reduce_max3A_58 = arith.constant dense<0xFF800000> : vector<1xf32>
      %reduce_max3A_59 = vector.multi_reduction <maximumf>, %add3A_57, %reduce_max3A_58 [1] : vector<1x10xf32> to vector<1xf32>
      %broadcast_in_dim3A_60 = vector.shape_cast %reduce_max3A_59 : vector<1xf32> to vector<1x1xf32>
      %sub3A = vector.broadcast %broadcast_in_dim3A_60 : vector<1x1xf32> to vector<1x10xf32>
      %sub3A_61 = arith.subf %add3A_57, %sub3A : vector<1x10xf32>
      %exp3A = math.exp %sub3A_61 : vector<1x10xf32>
      %reduce_sum3A = arith.constant dense<0.000000e+00> : vector<1xf32>
      %reduce_sum3A_62 = vector.multi_reduction <add>, %exp3A, %reduce_sum3A [1] : vector<1x10xf32> to vector<1xf32>
      %broadcast_in_dim3A_63 = vector.shape_cast %reduce_sum3A_62 : vector<1xf32> to vector<1x1xf32>
      %log3A = math.log %broadcast_in_dim3A_63 : vector<1x1xf32>
      %sub3A_64 = vector.broadcast %log3A : vector<1x1xf32> to vector<1x10xf32>
      %sub3A_65 = arith.subf %sub3A_61, %sub3A_64 : vector<1x10xf32>
      %swap3A = arith.constant 0 : index
      %swap3A_66 = arith.constant 0 : index
      %swap3A_67 = vector.load %arg7[%swap3A, %swap3A_66] : memref<1x10xf32, #tpu.memory_space<vmem>>, vector<1x10xf32>
      tpu.vector_store %arg7[%swap3A, %swap3A_66], %sub3A_65 {strides = array<i32>} : memref<1x10xf32, #tpu.memory_space<vmem>>, vector<1x10xf32>,
    } else {
    }
    return
  }
  func.func @transform_0(%arg0: i32) -> (i32, i32, i32) {
    %c0_i32 = arith.constant 0 : i32
    %c0_i32_0 = arith.constant 0 : i32
    %c0_i32_1 = arith.constant 0 : i32
    return %c0_i32, %arg0, %c0_i32_0 : i32, i32, i32
  }
  func.func @transform_1(%arg0: i32) -> (i32, i32) {
    %c0_i32 = arith.constant 0 : i32
    %c0_i32_0 = arith.constant 0 : i32
    return %arg0, %c0_i32 : i32, i32
  }
  func.func @transform_2(%arg0: i32) -> (i32, i32, i32) {
    %c0_i32 = arith.constant 0 : i32
    %c0_i32_0 = arith.constant 0 : i32
    %c0_i32_1 = arith.constant 0 : i32
    return %c0_i32, %arg0, %c0_i32_0 : i32, i32, i32
  }
  func.func @transform_3(%arg0: i32) -> (i32, i32) {
    %c0_i32 = arith.constant 0 : i32
    %c0_i32_0 = arith.constant 0 : i32
    %c0_i32_1 = arith.constant 0 : i32
    return %c0_i32, %c0_i32_0 : i32, i32
  }
  func.func @transform_4(%arg0: i32) -> (i32, i32) {
    %c0_i32 = arith.constant 0 : i32
    %c0_i32_0 = arith.constant 0 : i32
    %c0_i32_1 = arith.constant 0 : i32
    return %c0_i32, %c0_i32_0 : i32, i32
  }
  func.func @transform_5(%arg0: i32) -> (i32, i32) {
    %c0_i32 = arith.constant 0 : i32
    %c0_i32_0 = arith.constant 0 : i32
    %c0_i32_1 = arith.constant 0 : i32
    return %c0_i32, %c0_i32_0 : i32, i32
  }
  func.func @transform_6(%arg0: i32) -> (i32, i32) {
    %c0_i32 = arith.constant 0 : i32
    %c0_i32_0 = arith.constant 0 : i32
    %c0_i32_1 = arith.constant 0 : i32
    return %c0_i32, %c0_i32_0 : i32, i32
  }
}

</mosaic_0001>

<sc_bundles>
// kernel: kernel.10.cloned.1.call-start
scs
__scs_entry_jumppad:
0x0: {  	(pc) =	sbr.rel $0x88, $3  }
0x1: {  	(tag) =	ssettag $0x0;
	lr =	simm.s32 $0x1  }
0x2: {  	[smem:$0x3F97] =	sst lr;
	_ =	strace $0xD0000000  }
0x3: {  	_ = 	snop  }
0x4: {  	_ = 	snop  }
0x5: {  	_ = 	snop  }
0x6: {  	_ = 	snop  }
0x7: {  	_ = 	snop  }
__scs_overlays_trampoline_lowered:
0x8: {  	[smem:$0x3FA6] =	sst s0  }
0x9: {  	[smem:$0x3FA7] =	sst s1  }
0xa: {  	[smem:$0x3FA8] =	sst s2  }
0xb: {  	[smem:$0x3FA9] =	sst s3  }
0xc: {  	[smem:$0x3FAA] =	sst s4  }
0xd: {  	[smem:$0x3FAB] =	sst s5  }
0xe: {  	[smem:$0x3FAC] =	sst s6  }
0xf: {  	[smem:$0x3FAD] =	sst s7  }
0x10: {  	[smem:$0x3FAE] =	sst s8  }
0x11: {  	[smem:$0x3FAF] =	sst s9;
	s0 =	simm.s32 @!p0 $0x0  }
0x12: {  	s1 =	sld [smem:$0x3F95];
	s0 =	simm.s32 @p0 $0x1  }
0x13: {  	[smem:$0x3FB0] =	sst s0;
	s0 =	simm.s32 @!p1 $0x0  }
0x14: {  	s2 =	sld [smem:$0x3F94];
	s0 =	simm.s32 @p1 $0x1  }
0x15: {  	[smem:$0x3FB1] =	sst s0;
	s0 =	simm.s32 @!p2 $0x0  }
0x16: {  	s3 =	sld [smem:$0x3FDB];
	s0 =	simm.s32 @p2 $0x1  }
0x17: {  	s4 =	simm.s32 $0x1BF5;
	[smem:$0x3FB3] =	sst s0  }
0x18: {  	s0 =	sld [smem:$0x3F96];
	_ =	swait.ge [sflag:s4], $0x0  }
0x19: {  	s7 =	sld [smem:$0x3F97]  }
0x1a: {  	s8 =	sadd.s32 $0xFFFFE003, lr  }
0x1b: {  	s9 =	sadd.s32 $0xFFFFFEF7, lr;
	s5 =	simm.s32 $0xFFFFFFFF;
	p2 =	slt.u32 s8, $0xFFFFF086  }
0x1c: {  	p1 =	slt.u32 s9, $0xF7A;
	s5 =	simm.s32 @!p2 $0x0  }
0x1d: {  	s5 =	simm.s32 @p1 $0x1;
	p0 =	seq.s32 s7, s2  }
0x1e: {  	s7 =	smul.u32 @!p0 $0xF7A, s2;
	p2 =	seq.s32 @!p0 s5, $0x0  }
0x1f: {  	s9 =	smul.u32 $0xF7A, s1;
	s8 =	simm.s32 @!p0 $0x1BF5;
	p2 =	por !p2, p0  }
0x20: {  	[sflag:s8] =	ssyncset.s32 @!p0 $0xFFFFF086;
	s6 =	sadd.s32 @!p0 s3, s7;
	s7 =	simm.s32 @!p0 $0x108  }
0x21: {  	s3 =	sadd.s32 s3, s9;
	s6 =	sadd.s32 @!p0 $0x88, s6;
	s7 =	simm.s32 @p2 $0x1082  }
0x22: {  	[simem:s7], [sflag:s8] =	dma.local @!p0 [hbm:s6], $0xF7A  }
0x23: {  	s9 =	sor.u32 $0xD0000000, s2;
	s6 =	simm.s32 $0x108;
	_ =	swait.ge @!p0 [sflag:s8], $0x0  }
0x24: {  	s3 =	sadd.s32 $0x88, s3;
	s6 =	simm.s32 @!p1 $0x1082;
	[sflag:s4] =	ssyncset.s32 $0xFFFFF086  }
0x25: {  	[simem:s6], [sflag:s4] =	dma.local [hbm:s3], $0xF7A  }
0x26: {  	[smem:$0x3F97] =	sst s1;
	(tag) =	ssettag s2;
	_ =	strace s9  }
0x27: {  	s1 =	sld [smem:$0x3FA7]  }
0x28: {  	s2 =	sld [smem:$0x3FA8]  }
0x29: {  	s4 =	sld [smem:$0x3FAA]  }
0x2a: {  	p0 =	seq.s32 s5, $0x0;
	s5 =	sld [smem:$0x3FAB]  }
0x2b: {  	s6 =	sld [smem:$0x3FAC]  }
0x2c: {  	s7 =	sld [smem:$0x3FAD]  }
0x2d: {  	s3 =	simm.s32 $0x108;
	s8 =	sld [smem:$0x3FAE]  }
0x2e: {  	s3 =	simm.s32 @!p0 $0x1082;
	s9 =	sld [smem:$0x3FAF]  }
0x2f: {  	lr =	sadd.s32 s0, s3;
	s0 =	sld [smem:$0x3FA6]  }
0x30: {  	s3 =	sld [smem:$0x3FA9]  }
0x31: {  	[smem:$0x3FB2] =	sst s10  }
0x32: {  	s10 =	sld [smem:$0x3FB0];
	_ =	sdelay $0x3  }
0x33: {  	p0 =	seq.s32 s10, $0x1;
	s10 =	sld [smem:$0x3FB2];
	_ =	sdelay $0x3  }
0x34: {  	[smem:$0x3FB2] =	sst s10  }
0x35: {  	s10 =	sld [smem:$0x3FB1];
	_ =	sdelay $0x3  }
0x36: {  	p1 =	seq.s32 s10, $0x1;
	s10 =	sld [smem:$0x3FB2];
	_ =	sdelay $0x3  }
0x37: {  	[smem:$0x3FB2] =	sst s10  }
0x38: {  	s10 =	sld [smem:$0x3FB3]  }
0x39: {  	_ = 	snop;
	(pc) =	sbr.ind lr, $3  }
0x3a: {  	_ = 	snop  }
0x3b: {  	_ = 	snop  }
0x3c: {  	p2 =	seq.s32 s10, $0x1;
	s10 =	sld [smem:$0x3FB2]  }
0x3d: {  	_ =	shalt  }
0x3e: {  	_ =	shalt  }
0x3f: {  	_ =	shalt  }
0x40: {  	_ =	shalt  }
0x41: {  	_ =	shalt  }
0x42: {  	_ =	shalt  }
0x43: {  	_ =	shalt  }
0x44: {  	_ =	shalt  }
0x45: {  	_ =	shalt  }
0x46: {  	_ =	shalt  }
0x47: {  	_ =	shalt  }
0x48: {  	_ =	shalt  }
0x49: {  	_ =	shalt  }
0x4a: {  	_ =	shalt  }
0x4b: {  	_ =	shalt  }
0x4c: {  	_ =	shalt  }
0x4d: {  	_ =	shalt  }
0x4e: {  	_ =	shalt  }
0x4f: {  	_ =	shalt  }
0x50: {  	_ =	shalt  }
0x51: {  	_ =	shalt  }
0x52: {  	_ =	shalt  }
0x53: {  	_ =	shalt  }
0x54: {  	_ =	shalt  }
0x55: {  	_ =	shalt  }
0x56: {  	_ =	shalt  }
0x57: {  	_ =	shalt  }
0x58: {  	_ =	shalt  }
0x59: {  	_ =	shalt  }
0x5a: {  	_ =	shalt  }
0x5b: {  	_ =	shalt  }
0x5c: {  	_ =	shalt  }
0x5d: {  	_ =	shalt  }
0x5e: {  	_ =	shalt  }
0x5f: {  	_ =	shalt  }
0x60: {  	_ =	shalt  }
0x61: {  	_ =	shalt  }
0x62: {  	_ =	shalt  }
0x63: {  	_ =	shalt  }
0x64: {  	_ =	shalt  }
0x65: {  	_ =	shalt  }
0x66: {  	_ =	shalt  }
0x67: {  	_ =	shalt  }
0x68: {  	_ =	shalt  }
0x69: {  	_ =	shalt  }
0x6a: {  	_ =	shalt  }
0x6b: {  	_ =	shalt  }
0x6c: {  	_ =	shalt  }
0x6d: {  	_ =	shalt  }
0x6e: {  	_ =	shalt  }
0x6f: {  	_ =	shalt  }
0x70: {  	_ =	shalt  }
0x71: {  	_ =	shalt  }
0x72: {  	_ =	shalt  }
0x73: {  	_ =	shalt  }
0x74: {  	_ =	shalt  }
0x75: {  	_ =	shalt  }
0x76: {  	_ =	shalt  }
0x77: {  	_ =	shalt  }
0x78: {  	_ =	shalt  }
0x79: {  	_ =	shalt  }
0x7a: {  	_ =	shalt  }
0x7b: {  	_ =	shalt  }
0x7c: {  	_ =	shalt  }
0x7d: {  	_ =	shalt  }
0x7e: {  	_ =	shalt  }
0x7f: {  	_ =	shalt  }
0x80: {  	_ =	shalt  }
0x81: {  	_ =	shalt  }
0x82: {  	_ =	shalt  }
0x83: {  	_ =	shalt  }
0x84: {  	_ =	shalt  }
0x85: {  	_ =	shalt  }
0x86: {  	_ =	shalt  }
0x87: {  	_ =	shalt  }
.Lfunc_end0:
.L_simem_size_0:
called_computation_lowered:
.L_overlay_start_0:
0x88: {  	s2 =	sld [smem:$0x3FD9]  }
0x89: {  	s3 =	sld [smem:$0x3FFE];
	_ =	sdelay $0x1  }
0x8a: {  	s1 =	srdreg.scid  }
0x8b: {  	s0 =	sand.u32 $0x1, s1  }
0x8c: {  	s16 =	sshll.u32 s0, $0xA;
	s2 =	sadd.s32 s3, s2  }
0x8d: {  	s2 =	sadd.s32 s2, s16  }
0x8e: {  	[smem:$0x3FBE] =	sst s2  }
0x8f: {  	_ = 	snop  }
0x90: {  	(tm) =	ssettm $0x1  }
0x91: {  	s17 =	sld [smem:$0x3FFB];
	_ =	sdelay $0x3  }
0x92: {  	_ =	strace s17  }
0x93: {  	s2 =	sld [smem:$0x3FFC];
	_ =	sdelay $0x3  }
0x94: {  	_ =	strace s2  }
0x95: {  	s2 =	sld [smem:$0x3FFD];
	_ =	sdelay $0x3  }
0x96: {  	_ =	strace s2  }
0x97: {  	_ =	strace $0x8FFFFFFF  }
0x98: {  	s18 =	sld [smem:$0x3FDB];
	_ =	sdelay $0x1  }
0x99: {  	s19 =	simm.s32 $_scs_section_size  }
0x9a: {  	s4 =	simm.s32 $_size__tile_overlayer_lowered;
	s5 =	simm.s32 $_tile_overlayer_lowered  }
0x9b: {  	s22 =	simm.s32 $0x1BFF;
	s21 =	sshll.u32 s5, $0x1;
	s2 =	sadd.s32 s19, s18  }
0x9c: {  	s6 =	simm.s32 $0x0;
	s20 =	sshll.u32 s4, $0x1;
	s4 =	sadd.s32 s21, s2  }
0x9d: {  	[timem:s6], [sflag:s22] =	dma.local [hbm:s4], s20  }
0x9e: {  	_ =	swait.ge [sflag:s22], s20  }
0x9f: {  	s3 =	ssub.s32 $0x0, s20;
	[sflag:s22] =	ssyncset.done $0x0  }
0xa0: {  	[sflag:s22] =	ssyncadd.s32 s3;
	_ =	sdelay $0x1  }
0xa1: {  	s23 =	simm.s32 $0x1B8B  }
0xa2: {  	_ =	swait.ge [sflag:s23], $0x1  }
0xa3: {  	[sflag:s23] =	ssyncset.done $0x0  }
0xa4: {  	s25 =	simm.s32 $0x1B8E;
	s24 =	sld [smem:$0x3FFE];
	[sflag:s23] =	ssyncadd.s32 $0xFFFFFFFF  }
0xa5: {  	s26 =	simm.s32 $execute0_lowered;
	[smem:$0x3FD2] =	sst s25  }
0xa6: {  	s4 =	sshll.u32 s26, $0x1;
	_ =	strace $0x80000046;
	[dreg:$0x1] =	wrdreg $0xFFFFFFFF  }
0xa7: {  	s28 =	simm.s32 $_size_execute0_lowered;
	s2 =	sadd.s32 s2, s4;
	[dreg:$0x0] =	wrdreg $0x0  }
0xa8: {  	s4 =	sshll.u32 s28, $0x1;
	[dreg:$0x2] =	wrdreg s2  }
0xa9: {  	[dreg:$0x3] =	wrdreg s4  }
0xaa: {  	[dreg:$0x4] =	wrdreg $0xC0  }
0xab: {  	_ =	task [dreg:s6], $0x5FFFF  }
0xac: {  	[dreg:$0x1] =	wrdreg $0xFFFFFFFF  }
0xad: {  	[dreg:$0x0] =	wrdreg $0x60  }
0xae: {  	[dreg:$0x2] =	wrdreg s24  }
0xaf: {  	[dreg:$0x3] =	wrdreg $0x8800  }
0xb0: {  	[dreg:$0x4] =	wrdreg $0x9  }
0xb1: {  	_ =	task.clear_ibuf [dreg:s6], $0x5FFFF;
	_ =	strace $0x90000046  }
0xb2: {  	s29 =	simm.s32 $0x9;
	_ =	strace $0x80000048  }
0xb3: {  	_ =	swait.ge [sflag:s29], $0x1  }
0xb4: {  	[sflag:s29] =	ssyncadd.s32 $0xFFFFFFFF  }
0xb5: {  	_ =	strace $0x90000048  }
0xb6: {  	_ =	sfence  }
0xb7: {  	s30 =	sld [smem:$0x0];
	_ =	sdelay $0x2  }
0xb8: {  	s31 =	sshll.u32 s1, $0xD;
	s1 =	sshrl.u32 s1, $0x2  }
0xb9: {  	s3 =	sand.u32 $0x4000, s31;
	s1 =	sadd.s32 s1, s30  }
0xba: {  	s0 =	sor.u32 s3, s0;
	s1 =	sshll.u32 s1, $0x11  }
0xbb: {  	s0 =	sor.u32 s1, s0  }
0xbc: {  	s0 =	sadd.s32 $0x8F2B, s0  }
0xbd: {  	[sflag:s0] =	ssyncadd.remote.s32 $0x1  }
0xbe: {  	_ =	sfence.sel $0xFFFF  }
0xbf: {  	[dreg:$0x0] =	wrdreg $0xFFFFFFFF;
	(pc) =	sbr.abs _section_cstart, $3  }
0xc0: {  	[dreg:$0x1] =	wrdreg $0xFFFFFFFF  }
0xc1: {  	_ =	task.clear_ibuf [dreg:s6], $0x2FFFF;
	_ =	strace $0x9FFFFFFF  }
0xc2: {  	(tm) =	ssettm $0x7FFFFFFF  }
0xc3: {  	_ =	shalt  }
tec
execute0_lowered:
.L_overlay_start_1:
0x0: {  	(tag) =	ssettag $0x1  }
0x1: {  	s1 =	srdreg.scid;
	s6 =	rddreg [dreg:$0x0]  }
0x2: {  	s0 =	stileid.u32;
	s2 =	rddreg [dreg:$0x1]  }
0x3: {  	s3 =	simm.s32 $0x0;
	s13 =	simm.s32 $0x0;
	s4 =	smul.u32 $0x4F00, s0  }
0x4: {  	s5 =	sand.u32 $0x1, s1;
	s1 =	rddreg [dreg:$0x2];
	s29 =	smul.u32 $0x2800, s0  }
0x5: {  	[smem:$0x7FF] =	sst s3;
	s31 =	sshll.u32 s0, $0x6;
	s7 =	smul.u32 $0x2780, s5  }
0x6: {  	s8 =	smul.u32 $0x28000, s5;
	_ =	strace $0x80000047;
	s10 =	ssub.s32 $0x2, s5  }
0x7: {  	s5 =	sadd.s32 $0xCC00, s6;
	s11 =	sshrl.u32 s10, $0x1;
	s12 =	sadd.s32 s29, s2  }
0x8: {  	s4 =	sadd.s32 s7, s4;
	s8 =	sadd.s32 s29, s8;
	s30 =	ssub.s32 s10, s11  }
0x9: {  	s10 =	simm.s32 $0x1;
	s11 =	sor.u32 $0x1C01, s31;
	s12 =	sshrl.u32 s12, $0x3  }
0xa: {  	s4 =	sshrl.u32 s4, $0x3;
	s8 =	sshrl.u32 s8, $0x3;
	s7 =	smax.u32 s30, $0x1  }
0xb: {  	s9 =	sadd.s32 s4, s6;
	s4 =	sadd.s32 $0xD200, s6;
	s6 =	sadd.s32 s8, s6  }
0xc: {  	s6 =	sadd.s32 $0xD400, s6;
	s8 =	sadd.s32 $0x2E00, s9;
	s9 =	simm.s32 $0x80  }
.LBB2_1:
0xd: {  	[tilespmem:s9], [sflag:$0x1] =	stream.linear.gather [hbm4b:s4+s3], $0x800, $0x38;
	[tilespmem:$0x3080] =	vst v63  }
0xe: {  	_ =	swait.ge [sflag:s10], $0x800  }
0xf: {  	[sflag:s10] =	ssyncset.done $0x0  }
0x10: {  	[sflag:s10] =	ssyncadd.s32 $0xFFFFF800  }
0x11: {  	[spmem:s12], [sflag:s11] =	dma.local [hbm:s5], $0x500  }
0x12: {  	_ =	swait.ge [sflag:s10], $0x500  }
0x13: {  	[sflag:s10] =	ssyncset.done $0x0  }
0x14: {  	[sflag:s10] =	ssyncadd.s32 $0xFFFFFB00  }
0x15: {  	s14 =	sadd.s32 $0x0, s8;
	[bflag:$0x0] =	sbarrier.arrive $0xFFFF  }
0x16: {  	[tilespmem:s3], [sflag:$0x1] =	stream.linear.gather [hbm4b:s14+s3], $0x80, $0x38;
	[tilespmem:$0x3080] =	vst v63  }
0x17: {  	_ =	swait.ge [sflag:s10], $0x80  }
0x18: {  	[sflag:s10] =	ssyncset.done $0x0  }
0x19: {  	[sflag:s10] =	ssyncadd.s32 $0xFFFFFF80  }
0x1a: {  	[spmem:s2] =	stream.indirect.scatter.add.f32 [tilespmem:s9], [sflag:$0x1], $0x10, s3, s9, $0xb8;
	[tilespmem:$0x3080] =	vst v63  }
0x1b: {  	_ =	swait.ge [sflag:s10], $0x800  }
0x1c: {  	s15 =	simm.s32 $0x20;
	s14 =	simm.s32 $0x10;
	[sflag:s10] =	ssyncset.done $0x0  }
.LBB2_2:
0x1d: {  	s16 =	sadd.s32 s14, s8  }
0x1e: {  	[sflag:s10] =	ssyncadd.s32 $0xFFFFF800;
	s14 =	smov.u32 s15;
	s17 =	sadd.s32 $0x10, s15  }
0x1f: {  	[tilespmem:s3], [sflag:$0x1] =	stream.linear.gather [hbm4b:s16+s3], $0x80, $0x38;
	[tilespmem:$0x3080] =	vst v63  }
0x20: {  	p0 =	sne.s32 s15, $0x4E0;
	_ =	swait.ge [sflag:s10], $0x80  }
.Ltmp0:
0x21: {  	[sflag:s10] =	ssyncset.done $0x0;
	(pc) =	sbr.rel @p0 .LBB2_2-.Ltmp0, $4  }
0x22: {  	[sflag:s10] =	ssyncadd.s32 $0xFFFFFF80  }
0x23: {  	[spmem:s2] =	stream.indirect.scatter.add.f32 [tilespmem:s9], [sflag:$0x1], $0x10, s3, s9, $0xb8;
	[tilespmem:$0x3080] =	vst v63  }
0x24: {  	_ =	swait.ge [sflag:s10], $0x800  }
0x25: {  	s15 =	smov.u32 s17;
	[sflag:s10] =	ssyncset.done $0x0  }
0x26: {  	s14 =	sadd.s32 s14, s8;
	[sflag:s10] =	ssyncadd.s32 $0xFFFFF800  }
0x27: {  	[tilespmem:s3], [sflag:$0x1] =	stream.linear.gather [hbm4b:s14+s3], $0x80, $0x38;
	[tilespmem:$0x3080] =	vst v63  }
0x28: {  	_ =	swait.ge [sflag:s10], $0x80  }
0x29: {  	[sflag:s10] =	ssyncset.done $0x0  }
0x2a: {  	[sflag:s10] =	ssyncadd.s32 $0xFFFFFF80  }
0x2b: {  	[spmem:s2] =	stream.indirect.scatter.add.f32 [tilespmem:s9], [sflag:$0x1], $0x10, s3, s9, $0xb8;
	[tilespmem:$0x3080] =	vst v63  }
0x2c: {  	_ =	swait.ge [sflag:s10], $0x800  }
0x2d: {  	s13 =	sadd.s32 $0x1, s13;
	[sflag:s10] =	ssyncset.done $0x0  }
0x2e: {  	p0 =	sne.s32 s13, s7;
	[sflag:s10] =	ssyncadd.s32 $0xFFFFF800  }
.Ltmp1:
0x2f: {  	[bflag:$0x0] =	sbarrier.arrive $0xFFFF;
	(pc) =	sbr.rel @p0 .LBB2_1-.Ltmp1, $4  }
0x30: {  	[hbm:s6], [sflag:s11] =	dma.local [spmem:s12], $0x500  }
0x31: {  	_ =	swait.ge [sflag:s10], $0x500  }
0x32: {  	[sflag:s10] =	ssyncset.done $0x0  }
0x33: {  	[sflag:s10] =	ssyncadd.s32 $0xFFFFFB00  }
0x34: {  	_ =	sfence.sel $0x180000  }
0x35: {  	[bflag:$0x0] =	sbarrier.arrive $0xFFFF  }
0x36: {  	p0 =	sne.s32 s0, $0x0;
	_ =	strace $0x90000047  }
0x37: {  	s0 =	sadd.s32 @!p0 $0x100000, s1;
	[bflag:$0x2] =	sbarrier.arrive $0xFFFF  }
0x38: {  	[sflag:s0] =	ssyncadd.tile.s32 @!p0 $0x1;
	_ =	shalt  }
.Lfunc_end2:
_tile_overlayer_lowered:
.L_overlay_start_2:
0x39: {  	(tag) =	ssettag $0x2  }
0x3a: {  	s0 =	rddreg [dreg:$0x0];
	s2 =	stileid.u32  }
0x3b: {  	s1 =	rddreg [dreg:$0x1];
	p0 =	sne.s32 s2, $0x0  }
0x3c: {  	s3 =	rddreg [dreg:$0x2];
	[bflag:$0x3] =	sbarrier.arrive $0xFFFF;
	s2 =	simm.s32 @!p0 $0x1C01  }
0x3d: {  	[timem:s3], [sflag:s2] =	dma.local @!p0 [hbm:s0], s1  }
0x3e: {  	s0 =	simm.s32 @!p0 $0x1  }
0x3f: {  	_ =	swait.ge @!p0 [sflag:s0], s1  }
0x40: {  	s1 =	ssub.s32 @!p0 $0x0, s1;
	[sflag:s0] =	ssyncset.done @!p0 $0x0  }
0x41: {  	[sflag:s0] =	ssyncadd.s32 @!p0 s1  }
0x42: {  	[bflag:$0x3] =	sbarrier.arrive $0xFFFF  }
0x43: {  	_ =	shalt  }

// kernel: kernel.13.cloned.1.call-start
scs
__scs_entry_jumppad:
0x0: {  	(pc) =	sbr.rel $0x88, $3  }
0x1: {  	(tag) =	ssettag $0x0;
	lr =	simm.s32 $0x1  }
0x2: {  	[smem:$0x3F97] =	sst lr;
	_ =	strace $0xD0000000  }
0x3: {  	_ = 	snop  }
0x4: {  	_ = 	snop  }
0x5: {  	_ = 	snop  }
0x6: {  	_ = 	snop  }
0x7: {  	_ = 	snop  }
__scs_overlays_trampoline_lowered:
0x8: {  	[smem:$0x3FA6] =	sst s0  }
0x9: {  	[smem:$0x3FA7] =	sst s1  }
0xa: {  	[smem:$0x3FA8] =	sst s2  }
0xb: {  	[smem:$0x3FA9] =	sst s3  }
0xc: {  	[smem:$0x3FAA] =	sst s4  }
0xd: {  	[smem:$0x3FAB] =	sst s5  }
0xe: {  	[smem:$0x3FAC] =	sst s6  }
0xf: {  	[smem:$0x3FAD] =	sst s7  }
0x10: {  	[smem:$0x3FAE] =	sst s8  }
0x11: {  	[smem:$0x3FAF] =	sst s9;
	s0 =	simm.s32 @!p0 $0x0  }
0x12: {  	s1 =	sld [smem:$0x3F95];
	s0 =	simm.s32 @p0 $0x1  }
0x13: {  	[smem:$0x3FB0] =	sst s0;
	s0 =	simm.s32 @!p1 $0x0  }
0x14: {  	s2 =	sld [smem:$0x3F94];
	s0 =	simm.s32 @p1 $0x1  }
0x15: {  	[smem:$0x3FB1] =	sst s0;
	s0 =	simm.s32 @!p2 $0x0  }
0x16: {  	s3 =	sld [smem:$0x3FDB];
	s0 =	simm.s32 @p2 $0x1  }
0x17: {  	s4 =	simm.s32 $0x1BF5;
	[smem:$0x3FB3] =	sst s0  }
0x18: {  	s0 =	sld [smem:$0x3F96];
	_ =	swait.ge [sflag:s4], $0x0  }
0x19: {  	s7 =	sld [smem:$0x3F97]  }
0x1a: {  	s8 =	sadd.s32 $0xFFFFE003, lr  }
0x1b: {  	s9 =	sadd.s32 $0xFFFFFEF7, lr;
	s5 =	simm.s32 $0xFFFFFFFF;
	p2 =	slt.u32 s8, $0xFFFFF086  }
0x1c: {  	p1 =	slt.u32 s9, $0xF7A;
	s5 =	simm.s32 @!p2 $0x0  }
0x1d: {  	s5 =	simm.s32 @p1 $0x1;
	p0 =	seq.s32 s7, s2  }
0x1e: {  	s7 =	smul.u32 @!p0 $0xF7A, s2;
	p2 =	seq.s32 @!p0 s5, $0x0  }
0x1f: {  	s9 =	smul.u32 $0xF7A, s1;
	s8 =	simm.s32 @!p0 $0x1BF5;
	p2 =	por !p2, p0  }
0x20: {  	[sflag:s8] =	ssyncset.s32 @!p0 $0xFFFFF086;
	s6 =	sadd.s32 @!p0 s3, s7;
	s7 =	simm.s32 @!p0 $0x108  }
0x21: {  	s3 =	sadd.s32 s3, s9;
	s6 =	sadd.s32 @!p0 $0x88, s6;
	s7 =	simm.s32 @p2 $0x1082  }
0x22: {  	[simem:s7], [sflag:s8] =	dma.local @!p0 [hbm:s6], $0xF7A  }
0x23: {  	s9 =	sor.u32 $0xD0000000, s2;
	s6 =	simm.s32 $0x108;
	_ =	swait.ge @!p0 [sflag:s8], $0x0  }
0x24: {  	s3 =	sadd.s32 $0x88, s3;
	s6 =	simm.s32 @!p1 $0x1082;
	[sflag:s4] =	ssyncset.s32 $0xFFFFF086  }
0x25: {  	[simem:s6], [sflag:s4] =	dma.local [hbm:s3], $0xF7A  }
0x26: {  	[smem:$0x3F97] =	sst s1;
	(tag) =	ssettag s2;
	_ =	strace s9  }
0x27: {  	s1 =	sld [smem:$0x3FA7]  }
0x28: {  	s2 =	sld [smem:$0x3FA8]  }
0x29: {  	s4 =	sld [smem:$0x3FAA]  }
0x2a: {  	p0 =	seq.s32 s5, $0x0;
	s5 =	sld [smem:$0x3FAB]  }
0x2b: {  	s6 =	sld [smem:$0x3FAC]  }
0x2c: {  	s7 =	sld [smem:$0x3FAD]  }
0x2d: {  	s3 =	simm.s32 $0x108;
	s8 =	sld [smem:$0x3FAE]  }
0x2e: {  	s3 =	simm.s32 @!p0 $0x1082;
	s9 =	sld [smem:$0x3FAF]  }
0x2f: {  	lr =	sadd.s32 s0, s3;
	s0 =	sld [smem:$0x3FA6]  }
0x30: {  	s3 =	sld [smem:$0x3FA9]  }
0x31: {  	[smem:$0x3FB2] =	sst s10  }
0x32: {  	s10 =	sld [smem:$0x3FB0];
	_ =	sdelay $0x3  }
0x33: {  	p0 =	seq.s32 s10, $0x1;
	s10 =	sld [smem:$0x3FB2];
	_ =	sdelay $0x3  }
0x34: {  	[smem:$0x3FB2] =	sst s10  }
0x35: {  	s10 =	sld [smem:$0x3FB1];
	_ =	sdelay $0x3  }
0x36: {  	p1 =	seq.s32 s10, $0x1;
	s10 =	sld [smem:$0x3FB2];
	_ =	sdelay $0x3  }
0x37: {  	[smem:$0x3FB2] =	sst s10  }
0x38: {  	s10 =	sld [smem:$0x3FB3]  }
0x39: {  	_ = 	snop;
	(pc) =	sbr.ind lr, $3  }
0x3a: {  	_ = 	snop  }
0x3b: {  	_ = 	snop  }
0x3c: {  	p2 =	seq.s32 s10, $0x1;
	s10 =	sld [smem:$0x3FB2]  }
0x3d: {  	_ =	shalt  }
0x3e: {  	_ =	shalt  }
0x3f: {  	_ =	shalt  }
0x40: {  	_ =	shalt  }
0x41: {  	_ =	shalt  }
0x42: {  	_ =	shalt  }
0x43: {  	_ =	shalt  }
0x44: {  	_ =	shalt  }
0x45: {  	_ =	shalt  }
0x46: {  	_ =	shalt  }
0x47: {  	_ =	shalt  }
0x48: {  	_ =	shalt  }
0x49: {  	_ =	shalt  }
0x4a: {  	_ =	shalt  }
0x4b: {  	_ =	shalt  }
0x4c: {  	_ =	shalt  }
0x4d: {  	_ =	shalt  }
0x4e: {  	_ =	shalt  }
0x4f: {  	_ =	shalt  }
0x50: {  	_ =	shalt  }
0x51: {  	_ =	shalt  }
0x52: {  	_ =	shalt  }
0x53: {  	_ =	shalt  }
0x54: {  	_ =	shalt  }
0x55: {  	_ =	shalt  }
0x56: {  	_ =	shalt  }
0x57: {  	_ =	shalt  }
0x58: {  	_ =	shalt  }
0x59: {  	_ =	shalt  }
0x5a: {  	_ =	shalt  }
0x5b: {  	_ =	shalt  }
0x5c: {  	_ =	shalt  }
0x5d: {  	_ =	shalt  }
0x5e: {  	_ =	shalt  }
0x5f: {  	_ =	shalt  }
0x60: {  	_ =	shalt  }
0x61: {  	_ =	shalt  }
0x62: {  	_ =	shalt  }
0x63: {  	_ =	shalt  }
0x64: {  	_ =	shalt  }
0x65: {  	_ =	shalt  }
0x66: {  	_ =	shalt  }
0x67: {  	_ =	shalt  }
0x68: {  	_ =	shalt  }
0x69: {  	_ =	shalt  }
0x6a: {  	_ =	shalt  }
0x6b: {  	_ =	shalt  }
0x6c: {  	_ =	shalt  }
0x6d: {  	_ =	shalt  }
0x6e: {  	_ =	shalt  }
0x6f: {  	_ =	shalt  }
0x70: {  	_ =	shalt  }
0x71: {  	_ =	shalt  }
0x72: {  	_ =	shalt  }
0x73: {  	_ =	shalt  }
0x74: {  	_ =	shalt  }
0x75: {  	_ =	shalt  }
0x76: {  	_ =	shalt  }
0x77: {  	_ =	shalt  }
0x78: {  	_ =	shalt  }
0x79: {  	_ =	shalt  }
0x7a: {  	_ =	shalt  }
0x7b: {  	_ =	shalt  }
0x7c: {  	_ =	shalt  }
0x7d: {  	_ =	shalt  }
0x7e: {  	_ =	shalt  }
0x7f: {  	_ =	shalt  }
0x80: {  	_ =	shalt  }
0x81: {  	_ =	shalt  }
0x82: {  	_ =	shalt  }
0x83: {  	_ =	shalt  }
0x84: {  	_ =	shalt  }
0x85: {  	_ =	shalt  }
0x86: {  	_ =	shalt  }
0x87: {  	_ =	shalt  }
.Lfunc_end0:
.L_simem_size_0:
called_computation.1_lowered:
.L_overlay_start_0:
0x88: {  	s2 =	sld [smem:$0x3FD9]  }
0x89: {  	s3 =	sld [smem:$0x3FFE];
	_ =	sdelay $0x1  }
0x8a: {  	s1 =	srdreg.scid  }
0x8b: {  	s0 =	sand.u32 $0x1, s1  }
0x8c: {  	s16 =	sshll.u32 s0, $0xA;
	s2 =	sadd.s32 s3, s2  }
0x8d: {  	s2 =	sadd.s32 s2, s16  }
0x8e: {  	[smem:$0x3FBE] =	sst s2  }
0x8f: {  	_ = 	snop  }
0x90: {  	(tm) =	ssettm $0x1  }
0x91: {  	s17 =	sld [smem:$0x3FFB];
	_ =	sdelay $0x3  }
0x92: {  	_ =	strace s17  }
0x93: {  	s2 =	sld [smem:$0x3FFC];
	_ =	sdelay $0x3  }
0x94: {  	_ =	strace s2  }
0x95: {  	s2 =	sld [smem:$0x3FFD];
	_ =	sdelay $0x3  }
0x96: {  	_ =	strace s2  }
0x97: {  	_ =	strace $0x8FFFFFFF  }
0x98: {  	s18 =	sld [smem:$0x3FDB];
	_ =	sdelay $0x1  }
0x99: {  	s19 =	simm.s32 $_scs_section_size  }
0x9a: {  	s4 =	simm.s32 $_size__tile_overlayer_lowered;
	s5 =	simm.s32 $_tile_overlayer_lowered  }
0x9b: {  	s22 =	simm.s32 $0x1BFF;
	s21 =	sshll.u32 s5, $0x1;
	s2 =	sadd.s32 s19, s18  }
0x9c: {  	s6 =	simm.s32 $0x0;
	s20 =	sshll.u32 s4, $0x1;
	s4 =	sadd.s32 s21, s2  }
0x9d: {  	[timem:s6], [sflag:s22] =	dma.local [hbm:s4], s20  }
0x9e: {  	_ =	swait.ge [sflag:s22], s20  }
0x9f: {  	s3 =	ssub.s32 $0x0, s20;
	[sflag:s22] =	ssyncset.done $0x0  }
0xa0: {  	[sflag:s22] =	ssyncadd.s32 s3;
	_ =	sdelay $0x1  }
0xa1: {  	s23 =	simm.s32 $0x1B8B  }
0xa2: {  	_ =	swait.ge [sflag:s23], $0x1  }
0xa3: {  	[sflag:s23] =	ssyncset.done $0x0  }
0xa4: {  	s25 =	simm.s32 $0x1B8E;
	s24 =	sld [smem:$0x3FFE];
	[sflag:s23] =	ssyncadd.s32 $0xFFFFFFFF  }
0xa5: {  	s26 =	simm.s32 $execute0_lowered;
	[smem:$0x3FD2] =	sst s25  }
0xa6: {  	s4 =	sshll.u32 s26, $0x1;
	_ =	strace $0x80000049;
	[dreg:$0x1] =	wrdreg $0xFFFFFFFF  }
0xa7: {  	s28 =	simm.s32 $_size_execute0_lowered;
	s2 =	sadd.s32 s2, s4;
	[dreg:$0x0] =	wrdreg $0x0  }
0xa8: {  	s4 =	sshll.u32 s28, $0x1;
	[dreg:$0x2] =	wrdreg s2  }
0xa9: {  	[dreg:$0x3] =	wrdreg s4  }
0xaa: {  	[dreg:$0x4] =	wrdreg $0xC0  }
0xab: {  	_ =	task [dreg:s6], $0x5FFFF  }
0xac: {  	[dreg:$0x1] =	wrdreg $0xFFFFFFFF  }
0xad: {  	[dreg:$0x0] =	wrdreg $0x60  }
0xae: {  	[dreg:$0x2] =	wrdreg s24  }
0xaf: {  	[dreg:$0x3] =	wrdreg $0x41000  }
0xb0: {  	[dreg:$0x4] =	wrdreg $0x9  }
0xb1: {  	_ =	task.clear_ibuf [dreg:s6], $0x5FFFF;
	_ =	strace $0x90000049  }
0xb2: {  	s29 =	simm.s32 $0x9;
	_ =	strace $0x8000004B  }
0xb3: {  	_ =	swait.ge [sflag:s29], $0x1  }
0xb4: {  	[sflag:s29] =	ssyncadd.s32 $0xFFFFFFFF  }
0xb5: {  	_ =	strace $0x9000004B  }
0xb6: {  	_ =	sfence  }
0xb7: {  	s30 =	sld [smem:$0x0];
	_ =	sdelay $0x2  }
0xb8: {  	s31 =	sshll.u32 s1, $0xD;
	s1 =	sshrl.u32 s1, $0x2  }
0xb9: {  	s3 =	sand.u32 $0x4000, s31;
	s1 =	sadd.s32 s1, s30  }
0xba: {  	s0 =	sor.u32 s3, s0;
	s1 =	sshll.u32 s1, $0x11  }
0xbb: {  	s0 =	sor.u32 s1, s0  }
0xbc: {  	s0 =	sadd.s32 $0x8F2B, s0  }
0xbd: {  	[sflag:s0] =	ssyncadd.remote.s32 $0x1  }
0xbe: {  	_ =	sfence.sel $0xFFFF  }
0xbf: {  	[dreg:$0x0] =	wrdreg $0xFFFFFFFF;
	(pc) =	sbr.abs _section_cstart, $3  }
0xc0: {  	[dreg:$0x1] =	wrdreg $0xFFFFFFFF  }
0xc1: {  	_ =	task.clear_ibuf [dreg:s6], $0x2FFFF;
	_ =	strace $0x9FFFFFFF  }
0xc2: {  	(tm) =	ssettm $0x7FFFFFFF  }
0xc3: {  	_ =	shalt  }
tec
execute0_lowered:
.L_overlay_start_1:
0x0: {  	(tag) =	ssettag $0x1  }
0x1: {  	s1 =	srdreg.scid;
	s6 =	rddreg [dreg:$0x0]  }
0x2: {  	s0 =	stileid.u32;
	s2 =	rddreg [dreg:$0x1]  }
0x3: {  	s3 =	simm.s32 $0x0;
	s12 =	simm.s32 $0x2;
	s13 =	simm.s32 $0x80  }
0x4: {  	s14 =	simm.s32 $0x100;
	s15 =	simm.s32 $0x1;
	s4 =	smul.u32 $0x4F00, s0  }
0x5: {  	s5 =	sand.u32 $0x1, s1;
	s1 =	rddreg [dreg:$0x2];
	s29 =	smul.u32 $0x14000, s0  }
0x6: {  	s16 =	simm.s32 $0x0;
	[smem:$0x7FF] =	sst s3;
	s7 =	smul.u32 $0x2780, s5  }
0x7: {  	s30 =	sshll.u32 s0, $0x6;
	s8 =	smul.u32 $0x140000, s5;
	s9 =	ssub.s32 $0x2, s5  }
0x8: {  	_ =	strace $0x8000004A;
	s5 =	sadd.s32 $0xCC00, s6;
	s11 =	sshrl.u32 s9, $0x1  }
0x9: {  	s31 =	sadd.s32 s29, s2;
	s4 =	sadd.s32 s7, s4;
	s8 =	sadd.s32 s29, s8  }
0xa: {  	s9 =	ssub.s32 s9, s11;
	s4 =	sshrl.u32 s4, $0x3;
	s8 =	sshrl.u32 s8, $0x3  }
0xb: {  	s11 =	sshrl.u32 s31, $0x3;
	s10 =	sadd.s32 s4, s6;
	s8 =	sadd.s32 s8, s6  }
0xc: {  	s4 =	sadd.s32 $0x71200, s6;
	s6 =	sor.u32 $0x1C02, s30;
	s7 =	sadd.s32 $0x98400, s8  }
0xd: {  	s8 =	smax.u32 s9, $0x1;
	s9 =	sadd.s32 $0x2E00, s10;
	s10 =	sadd.s32 $0x17400, s10  }
.LBB2_1:
0xe: {  	[spmem:s11], [sflag:s6] =	dma.local [hbm:s5], $0x2800  }
0xf: {  	_ =	swait.ge [sflag:s12], $0x2800  }
0x10: {  	[sflag:s12] =	ssyncset.done $0x0  }
0x11: {  	[sflag:s12] =	ssyncadd.s32 $0xFFFFD800  }
0x12: {  	s17 =	sadd.s32 $0x0, s10;
	[bflag:$0x0] =	sbarrier.arrive $0xFFFF  }
0x13: {  	[tilespmem:s3], [sflag:$0x2] =	stream.linear.gather [hbm4b:s17+s3], $0x80, $0x38;
	[tilespmem:$0x18100] =	vst v63  }
0x14: {  	_ =	swait.ge [sflag:s12], $0x80  }
0x15: {  	[sflag:s12] =	ssyncset.done $0x0  }
0x16: {  	s31 =	sadd.s32 $0x0, s9;
	[sflag:s12] =	ssyncadd.s32 $0xFFFFFF80  }
0x17: {  	[tilespmem:s13], [sflag:$0x2] =	stream.linear.gather [hbm4b:s31+s3], $0x80, $0x38;
	[tilespmem:$0x18100] =	vst v63  }
0x18: {  	_ =	swait.ge [sflag:s12], $0x80  }
0x19: {  	[sflag:s12] =	ssyncset.done $0x0  }
0x1a: {  	[sflag:s12] =	ssyncadd.s32 $0xFFFFFF80  }
0x1b: {  	[tilespmem:s14], [sflag:$0x1] =	stream.indirect.gather [hbm4b:s4+s13], $0x80, s3, s13, $0xb8;
	[tilespmem:$0x18100] =	vst v63  }
0x1c: {  	_ =	swait.ge [sflag:s15], $0x4000  }
0x1d: {  	[sflag:s15] =	ssyncset.done $0x0  }
0x1e: {  	[sflag:s15] =	ssyncadd.s32 $0xFFFFC000  }
0x1f: {  	[spmem:s2] =	stream.indirect.scatter.add.f32 [tilespmem:s14], [sflag:$0x2], $0x80, s13, s13, $0xb8;
	[tilespmem:$0x18100] =	vst v63  }
0x20: {  	_ =	swait.ge [sflag:s12], $0x4000  }
0x21: {  	s18 =	simm.s32 $0x20;
	s17 =	simm.s32 $0x10;
	[sflag:s12] =	ssyncset.done $0x0  }
.LBB2_2:
0x22: {  	s19 =	sadd.s32 s17, s10  }
0x23: {  	[sflag:s12] =	ssyncadd.s32 $0xFFFFC000;
	s20 =	smov.u32 s18;
	s21 =	sadd.s32 $0x10, s18  }
0x24: {  	[tilespmem:s3], [sflag:$0x2] =	stream.linear.gather [hbm4b:s19+s3], $0x80, $0x38;
	[tilespmem:$0x18100] =	vst v63  }
0x25: {  	p0 =	sne.s32 s18, $0x4E0;
	_ =	swait.ge [sflag:s12], $0x80  }
0x26: {  	[sflag:s12] =	ssyncset.done $0x0  }
0x27: {  	s18 =	sadd.s32 s17, s9;
	s17 =	smov.u32 s20;
	[sflag:s12] =	ssyncadd.s32 $0xFFFFFF80  }
0x28: {  	[tilespmem:s13], [sflag:$0x2] =	stream.linear.gather [hbm4b:s18+s3], $0x80, $0x38;
	[tilespmem:$0x18100] =	vst v63  }
0x29: {  	_ =	swait.ge [sflag:s12], $0x80  }
0x2a: {  	[sflag:s12] =	ssyncset.done $0x0  }
0x2b: {  	[sflag:s12] =	ssyncadd.s32 $0xFFFFFF80  }
0x2c: {  	[tilespmem:s14], [sflag:$0x1] =	stream.indirect.gather [hbm4b:s4+s13], $0x80, s3, s13, $0xb8;
	[tilespmem:$0x18100] =	vst v63  }
0x2d: {  	_ =	swait.ge [sflag:s15], $0x4000  }
.Ltmp0:
0x2e: {  	[sflag:s15] =	ssyncset.done $0x0;
	(pc) =	sbr.rel @p0 .LBB2_2-.Ltmp0, $4  }
0x2f: {  	[sflag:s15] =	ssyncadd.s32 $0xFFFFC000  }
0x30: {  	[spmem:s2] =	stream.indirect.scatter.add.f32 [tilespmem:s14], [sflag:$0x2], $0x80, s13, s13, $0xb8;
	[tilespmem:$0x18100] =	vst v63  }
0x31: {  	_ =	swait.ge [sflag:s12], $0x4000  }
0x32: {  	s18 =	smov.u32 s21;
	[sflag:s12] =	ssyncset.done $0x0  }
0x33: {  	s18 =	sadd.s32 s17, s10;
	[sflag:s12] =	ssyncadd.s32 $0xFFFFC000  }
0x34: {  	[tilespmem:s3], [sflag:$0x2] =	stream.linear.gather [hbm4b:s18+s3], $0x80, $0x38;
	[tilespmem:$0x18100] =	vst v63  }
0x35: {  	_ =	swait.ge [sflag:s12], $0x80  }
0x36: {  	[sflag:s12] =	ssyncset.done $0x0  }
0x37: {  	s31 =	sadd.s32 s17, s9;
	[sflag:s12] =	ssyncadd.s32 $0xFFFFFF80  }
0x38: {  	[tilespmem:s13], [sflag:$0x2] =	stream.linear.gather [hbm4b:s31+s3], $0x80, $0x38;
	[tilespmem:$0x18100] =	vst v63  }
0x39: {  	_ =	swait.ge [sflag:s12], $0x80  }
0x3a: {  	[sflag:s12] =	ssyncset.done $0x0  }
0x3b: {  	[sflag:s12] =	ssyncadd.s32 $0xFFFFFF80  }
0x3c: {  	[tilespmem:s14], [sflag:$0x1] =	stream.indirect.gather [hbm4b:s4+s13], $0x80, s3, s13, $0xb8;
	[tilespmem:$0x18100] =	vst v63  }
0x3d: {  	_ =	swait.ge [sflag:s15], $0x4000  }
0x3e: {  	[sflag:s15] =	ssyncset.done $0x0  }
0x3f: {  	[sflag:s15] =	ssyncadd.s32 $0xFFFFC000  }
0x40: {  	[spmem:s2] =	stream.indirect.scatter.add.f32 [tilespmem:s14], [sflag:$0x2], $0x80, s13, s13, $0xb8;
	[tilespmem:$0x18100] =	vst v63  }
0x41: {  	_ =	swait.ge [sflag:s12], $0x4000  }
0x42: {  	s16 =	sadd.s32 $0x1, s16;
	[sflag:s12] =	ssyncset.done $0x0  }
0x43: {  	p0 =	sne.s32 s16, s8;
	[sflag:s12] =	ssyncadd.s32 $0xFFFFC000  }
.Ltmp1:
0x44: {  	[bflag:$0x0] =	sbarrier.arrive $0xFFFF;
	(pc) =	sbr.rel @p0 .LBB2_1-.Ltmp1, $4  }
0x45: {  	[hbm:s7], [sflag:s6] =	dma.local [spmem:s11], $0x2800  }
0x46: {  	_ =	swait.ge [sflag:s12], $0x2800  }
0x47: {  	[sflag:s12] =	ssyncset.done $0x0  }
0x48: {  	[sflag:s12] =	ssyncadd.s32 $0xFFFFD800  }
0x49: {  	_ =	sfence.sel $0x180000  }
0x4a: {  	[bflag:$0x0] =	sbarrier.arrive $0xFFFF  }
0x4b: {  	p0 =	sne.s32 s0, $0x0;
	_ =	strace $0x9000004A  }
0x4c: {  	s0 =	sadd.s32 @!p0 $0x100000, s1;
	[bflag:$0x2] =	sbarrier.arrive $0xFFFF  }
0x4d: {  	[sflag:s0] =	ssyncadd.tile.s32 @!p0 $0x1;
	_ =	shalt  }
.Lfunc_end2:
_tile_overlayer_lowered:
.L_overlay_start_2:
0x4e: {  	(tag) =	ssettag $0x2  }
0x4f: {  	s0 =	rddreg [dreg:$0x0];
	s2 =	stileid.u32  }
0x50: {  	s1 =	rddreg [dreg:$0x1];
	p0 =	sne.s32 s2, $0x0  }
0x51: {  	s3 =	rddreg [dreg:$0x2];
	[bflag:$0x3] =	sbarrier.arrive $0xFFFF;
	s2 =	simm.s32 @!p0 $0x1C02  }
0x52: {  	[timem:s3], [sflag:s2] =	dma.local @!p0 [hbm:s0], s1  }
0x53: {  	s0 =	simm.s32 @!p0 $0x2  }
0x54: {  	_ =	swait.ge @!p0 [sflag:s0], s1  }
0x55: {  	s1 =	ssub.s32 @!p0 $0x0, s1;
	[sflag:s0] =	ssyncset.done @!p0 $0x0  }
0x56: {  	[sflag:s0] =	ssyncadd.s32 @!p0 s1  }
0x57: {  	[bflag:$0x3] =	sbarrier.arrive $0xFFFF  }
0x58: {  	_ =	shalt  }

// kernel: kernel.16.cloned.1.call-start
scs
__scs_entry_jumppad:
0x0: {  	(pc) =	sbr.rel $0x88, $3  }
0x1: {  	(tag) =	ssettag $0x0;
	lr =	simm.s32 $0x1  }
0x2: {  	[smem:$0x3F97] =	sst lr;
	_ =	strace $0xD0000000  }
0x3: {  	_ = 	snop  }
0x4: {  	_ = 	snop  }
0x5: {  	_ = 	snop  }
0x6: {  	_ = 	snop  }
0x7: {  	_ = 	snop  }
__scs_overlays_trampoline_lowered:
0x8: {  	[smem:$0x3FA6] =	sst s0  }
0x9: {  	[smem:$0x3FA7] =	sst s1  }
0xa: {  	[smem:$0x3FA8] =	sst s2  }
0xb: {  	[smem:$0x3FA9] =	sst s3  }
0xc: {  	[smem:$0x3FAA] =	sst s4  }
0xd: {  	[smem:$0x3FAB] =	sst s5  }
0xe: {  	[smem:$0x3FAC] =	sst s6  }
0xf: {  	[smem:$0x3FAD] =	sst s7  }
0x10: {  	[smem:$0x3FAE] =	sst s8  }
0x11: {  	[smem:$0x3FAF] =	sst s9;
	s0 =	simm.s32 @!p0 $0x0  }
0x12: {  	s1 =	sld [smem:$0x3F95];
	s0 =	simm.s32 @p0 $0x1  }
0x13: {  	[smem:$0x3FB0] =	sst s0;
	s0 =	simm.s32 @!p1 $0x0  }
0x14: {  	s2 =	sld [smem:$0x3F94];
	s0 =	simm.s32 @p1 $0x1  }
0x15: {  	[smem:$0x3FB1] =	sst s0;
	s0 =	simm.s32 @!p2 $0x0  }
0x16: {  	s3 =	sld [smem:$0x3FDB];
	s0 =	simm.s32 @p2 $0x1  }
0x17: {  	s4 =	simm.s32 $0x1BF5;
	[smem:$0x3FB3] =	sst s0  }
0x18: {  	s0 =	sld [smem:$0x3F96];
	_ =	swait.ge [sflag:s4], $0x0  }
0x19: {  	s7 =	sld [smem:$0x3F97]  }
0x1a: {  	s8 =	sadd.s32 $0xFFFFE003, lr  }
0x1b: {  	s9 =	sadd.s32 $0xFFFFFEF7, lr;
	s5 =	simm.s32 $0xFFFFFFFF;
	p2 =	slt.u32 s8, $0xFFFFF086  }
0x1c: {  	p1 =	slt.u32 s9, $0xF7A;
	s5 =	simm.s32 @!p2 $0x0  }
0x1d: {  	s5 =	simm.s32 @p1 $0x1;
	p0 =	seq.s32 s7, s2  }
0x1e: {  	s7 =	smul.u32 @!p0 $0xF7A, s2;
	p2 =	seq.s32 @!p0 s5, $0x0  }
0x1f: {  	s9 =	smul.u32 $0xF7A, s1;
	s8 =	simm.s32 @!p0 $0x1BF5;
	p2 =	por !p2, p0  }
0x20: {  	[sflag:s8] =	ssyncset.s32 @!p0 $0xFFFFF086;
	s6 =	sadd.s32 @!p0 s3, s7;
	s7 =	simm.s32 @!p0 $0x108  }
0x21: {  	s3 =	sadd.s32 s3, s9;
	s6 =	sadd.s32 @!p0 $0x88, s6;
	s7 =	simm.s32 @p2 $0x1082  }
0x22: {  	[simem:s7], [sflag:s8] =	dma.local @!p0 [hbm:s6], $0xF7A  }
0x23: {  	s9 =	sor.u32 $0xD0000000, s2;
	s6 =	simm.s32 $0x108;
	_ =	swait.ge @!p0 [sflag:s8], $0x0  }
0x24: {  	s3 =	sadd.s32 $0x88, s3;
	s6 =	simm.s32 @!p1 $0x1082;
	[sflag:s4] =	ssyncset.s32 $0xFFFFF086  }
0x25: {  	[simem:s6], [sflag:s4] =	dma.local [hbm:s3], $0xF7A  }
0x26: {  	[smem:$0x3F97] =	sst s1;
	(tag) =	ssettag s2;
	_ =	strace s9  }
0x27: {  	s1 =	sld [smem:$0x3FA7]  }
0x28: {  	s2 =	sld [smem:$0x3FA8]  }
0x29: {  	s4 =	sld [smem:$0x3FAA]  }
0x2a: {  	p0 =	seq.s32 s5, $0x0;
	s5 =	sld [smem:$0x3FAB]  }
0x2b: {  	s6 =	sld [smem:$0x3FAC]  }
0x2c: {  	s7 =	sld [smem:$0x3FAD]  }
0x2d: {  	s3 =	simm.s32 $0x108;
	s8 =	sld [smem:$0x3FAE]  }
0x2e: {  	s3 =	simm.s32 @!p0 $0x1082;
	s9 =	sld [smem:$0x3FAF]  }
0x2f: {  	lr =	sadd.s32 s0, s3;
	s0 =	sld [smem:$0x3FA6]  }
0x30: {  	s3 =	sld [smem:$0x3FA9]  }
0x31: {  	[smem:$0x3FB2] =	sst s10  }
0x32: {  	s10 =	sld [smem:$0x3FB0];
	_ =	sdelay $0x3  }
0x33: {  	p0 =	seq.s32 s10, $0x1;
	s10 =	sld [smem:$0x3FB2];
	_ =	sdelay $0x3  }
0x34: {  	[smem:$0x3FB2] =	sst s10  }
0x35: {  	s10 =	sld [smem:$0x3FB1];
	_ =	sdelay $0x3  }
0x36: {  	p1 =	seq.s32 s10, $0x1;
	s10 =	sld [smem:$0x3FB2];
	_ =	sdelay $0x3  }
0x37: {  	[smem:$0x3FB2] =	sst s10  }
0x38: {  	s10 =	sld [smem:$0x3FB3]  }
0x39: {  	_ = 	snop;
	(pc) =	sbr.ind lr, $3  }
0x3a: {  	_ = 	snop  }
0x3b: {  	_ = 	snop  }
0x3c: {  	p2 =	seq.s32 s10, $0x1;
	s10 =	sld [smem:$0x3FB2]  }
0x3d: {  	_ =	shalt  }
0x3e: {  	_ =	shalt  }
0x3f: {  	_ =	shalt  }
0x40: {  	_ =	shalt  }
0x41: {  	_ =	shalt  }
0x42: {  	_ =	shalt  }
0x43: {  	_ =	shalt  }
0x44: {  	_ =	shalt  }
0x45: {  	_ =	shalt  }
0x46: {  	_ =	shalt  }
0x47: {  	_ =	shalt  }
0x48: {  	_ =	shalt  }
0x49: {  	_ =	shalt  }
0x4a: {  	_ =	shalt  }
0x4b: {  	_ =	shalt  }
0x4c: {  	_ =	shalt  }
0x4d: {  	_ =	shalt  }
0x4e: {  	_ =	shalt  }
0x4f: {  	_ =	shalt  }
0x50: {  	_ =	shalt  }
0x51: {  	_ =	shalt  }
0x52: {  	_ =	shalt  }
0x53: {  	_ =	shalt  }
0x54: {  	_ =	shalt  }
0x55: {  	_ =	shalt  }
0x56: {  	_ =	shalt  }
0x57: {  	_ =	shalt  }
0x58: {  	_ =	shalt  }
0x59: {  	_ =	shalt  }
0x5a: {  	_ =	shalt  }
0x5b: {  	_ =	shalt  }
0x5c: {  	_ =	shalt  }
0x5d: {  	_ =	shalt  }
0x5e: {  	_ =	shalt  }
0x5f: {  	_ =	shalt  }
0x60: {  	_ =	shalt  }
0x61: {  	_ =	shalt  }
0x62: {  	_ =	shalt  }
0x63: {  	_ =	shalt  }
0x64: {  	_ =	shalt  }
0x65: {  	_ =	shalt  }
0x66: {  	_ =	shalt  }
0x67: {  	_ =	shalt  }
0x68: {  	_ =	shalt  }
0x69: {  	_ =	shalt  }
0x6a: {  	_ =	shalt  }
0x6b: {  	_ =	shalt  }
0x6c: {  	_ =	shalt  }
0x6d: {  	_ =	shalt  }
0x6e: {  	_ =	shalt  }
0x6f: {  	_ =	shalt  }
0x70: {  	_ =	shalt  }
0x71: {  	_ =	shalt  }
0x72: {  	_ =	shalt  }
0x73: {  	_ =	shalt  }
0x74: {  	_ =	shalt  }
0x75: {  	_ =	shalt  }
0x76: {  	_ =	shalt  }
0x77: {  	_ =	shalt  }
0x78: {  	_ =	shalt  }
0x79: {  	_ =	shalt  }
0x7a: {  	_ =	shalt  }
0x7b: {  	_ =	shalt  }
0x7c: {  	_ =	shalt  }
0x7d: {  	_ =	shalt  }
0x7e: {  	_ =	shalt  }
0x7f: {  	_ =	shalt  }
0x80: {  	_ =	shalt  }
0x81: {  	_ =	shalt  }
0x82: {  	_ =	shalt  }
0x83: {  	_ =	shalt  }
0x84: {  	_ =	shalt  }
0x85: {  	_ =	shalt  }
0x86: {  	_ =	shalt  }
0x87: {  	_ =	shalt  }
.Lfunc_end0:
.L_simem_size_0:
called_computation.2_lowered:
.L_overlay_start_0:
0x88: {  	s2 =	sld [smem:$0x3FD9]  }
0x89: {  	s3 =	sld [smem:$0x3FFE];
	_ =	sdelay $0x1  }
0x8a: {  	s1 =	srdreg.scid  }
0x8b: {  	s0 =	sand.u32 $0x1, s1  }
0x8c: {  	s16 =	sshll.u32 s0, $0xA;
	s2 =	sadd.s32 s3, s2  }
0x8d: {  	s2 =	sadd.s32 s2, s16  }
0x8e: {  	[smem:$0x3FBE] =	sst s2  }
0x8f: {  	_ = 	snop  }
0x90: {  	(tm) =	ssettm $0x1  }
0x91: {  	s17 =	sld [smem:$0x3FFB];
	_ =	sdelay $0x3  }
0x92: {  	_ =	strace s17  }
0x93: {  	s2 =	sld [smem:$0x3FFC];
	_ =	sdelay $0x3  }
0x94: {  	_ =	strace s2  }
0x95: {  	s2 =	sld [smem:$0x3FFD];
	_ =	sdelay $0x3  }
0x96: {  	_ =	strace s2  }
0x97: {  	_ =	strace $0x8FFFFFFF  }
0x98: {  	s18 =	sld [smem:$0x3FDB];
	_ =	sdelay $0x1  }
0x99: {  	s19 =	simm.s32 $_scs_section_size  }
0x9a: {  	s4 =	simm.s32 $_size__tile_overlayer_lowered;
	s5 =	simm.s32 $_tile_overlayer_lowered  }
0x9b: {  	s22 =	simm.s32 $0x1BFF;
	s21 =	sshll.u32 s5, $0x1;
	s2 =	sadd.s32 s19, s18  }
0x9c: {  	s6 =	simm.s32 $0x0;
	s20 =	sshll.u32 s4, $0x1;
	s4 =	sadd.s32 s21, s2  }
0x9d: {  	[timem:s6], [sflag:s22] =	dma.local [hbm:s4], s20  }
0x9e: {  	_ =	swait.ge [sflag:s22], s20  }
0x9f: {  	s3 =	ssub.s32 $0x0, s20;
	[sflag:s22] =	ssyncset.done $0x0  }
0xa0: {  	[sflag:s22] =	ssyncadd.s32 s3;
	_ =	sdelay $0x1  }
0xa1: {  	s23 =	simm.s32 $0x1B8B  }
0xa2: {  	_ =	swait.ge [sflag:s23], $0x1  }
0xa3: {  	[sflag:s23] =	ssyncset.done $0x0  }
0xa4: {  	s25 =	simm.s32 $0x1B8E;
	s24 =	sld [smem:$0x3FFE];
	[sflag:s23] =	ssyncadd.s32 $0xFFFFFFFF  }
0xa5: {  	s26 =	simm.s32 $execute0_lowered;
	[smem:$0x3FD2] =	sst s25  }
0xa6: {  	s4 =	sshll.u32 s26, $0x1;
	_ =	strace $0x8000004C;
	[dreg:$0x1] =	wrdreg $0xFFFFFFFF  }
0xa7: {  	s28 =	simm.s32 $_size_execute0_lowered;
	s2 =	sadd.s32 s2, s4;
	[dreg:$0x0] =	wrdreg $0x0  }
0xa8: {  	s4 =	sshll.u32 s28, $0x1;
	[dreg:$0x2] =	wrdreg s2  }
0xa9: {  	[dreg:$0x3] =	wrdreg s4  }
0xaa: {  	[dreg:$0x4] =	wrdreg $0xC0  }
0xab: {  	_ =	task [dreg:s6], $0x5FFFF  }
0xac: {  	[dreg:$0x1] =	wrdreg $0xFFFFFFFF  }
0xad: {  	[dreg:$0x0] =	wrdreg $0x60  }
0xae: {  	[dreg:$0x2] =	wrdreg s24  }
0xaf: {  	[dreg:$0x3] =	wrdreg $0x21000  }
0xb0: {  	[dreg:$0x4] =	wrdreg $0x9  }
0xb1: {  	_ =	task.clear_ibuf [dreg:s6], $0x5FFFF;
	_ =	strace $0x9000004C  }
0xb2: {  	s29 =	simm.s32 $0x9;
	_ =	strace $0x8000004E  }
0xb3: {  	_ =	swait.ge [sflag:s29], $0x1  }
0xb4: {  	[sflag:s29] =	ssyncadd.s32 $0xFFFFFFFF  }
0xb5: {  	_ =	strace $0x9000004E  }
0xb6: {  	_ =	sfence  }
0xb7: {  	s30 =	sld [smem:$0x0];
	_ =	sdelay $0x2  }
0xb8: {  	s31 =	sshll.u32 s1, $0xD;
	s1 =	sshrl.u32 s1, $0x2  }
0xb9: {  	s3 =	sand.u32 $0x4000, s31;
	s1 =	sadd.s32 s1, s30  }
0xba: {  	s0 =	sor.u32 s3, s0;
	s1 =	sshll.u32 s1, $0x11  }
0xbb: {  	s0 =	sor.u32 s1, s0  }
0xbc: {  	s0 =	sadd.s32 $0x8F2B, s0  }
0xbd: {  	[sflag:s0] =	ssyncadd.remote.s32 $0x1  }
0xbe: {  	_ =	sfence.sel $0xFFFF  }
0xbf: {  	[dreg:$0x0] =	wrdreg $0xFFFFFFFF;
	(pc) =	sbr.abs _section_cstart, $3  }
0xc0: {  	[dreg:$0x1] =	wrdreg $0xFFFFFFFF  }
0xc1: {  	_ =	task.clear_ibuf [dreg:s6], $0x2FFFF;
	_ =	strace $0x9FFFFFFF  }
0xc2: {  	(tm) =	ssettm $0x7FFFFFFF  }
0xc3: {  	_ =	shalt  }
tec
execute0_lowered:
.L_overlay_start_1:
0x0: {  	(tag) =	ssettag $0x1  }
0x1: {  	s1 =	srdreg.scid;
	s6 =	rddreg [dreg:$0x0]  }
0x2: {  	s0 =	stileid.u32;
	s2 =	rddreg [dreg:$0x1]  }
0x3: {  	s3 =	simm.s32 $0x0;
	s12 =	simm.s32 $0x2;
	s13 =	simm.s32 $0x80  }
0x4: {  	s14 =	simm.s32 $0x100;
	s15 =	simm.s32 $0x1;
	s4 =	smul.u32 $0x4F00, s0  }
0x5: {  	s5 =	sand.u32 $0x1, s1;
	s1 =	rddreg [dreg:$0x2];
	s29 =	smul.u32 $0xA000, s0  }
0x6: {  	s16 =	simm.s32 $0x0;
	[smem:$0x7FF] =	sst s3;
	s7 =	smul.u32 $0x2780, s5  }
0x7: {  	s30 =	sshll.u32 s0, $0x6;
	s8 =	smul.u32 $0xA0000, s5;
	s9 =	ssub.s32 $0x2, s5  }
0x8: {  	_ =	strace $0x8000004D;
	s5 =	sadd.s32 $0xCC00, s6;
	s11 =	sshrl.u32 s9, $0x1  }
0x9: {  	s31 =	sadd.s32 s29, s2;
	s4 =	sadd.s32 s7, s4;
	s8 =	sadd.s32 s29, s8  }
0xa: {  	s9 =	ssub.s32 s9, s11;
	s4 =	sshrl.u32 s4, $0x3;
	s8 =	sshrl.u32 s8, $0x3  }
0xb: {  	s11 =	sshrl.u32 s31, $0x3;
	s10 =	sadd.s32 s4, s6;
	s8 =	sadd.s32 s8, s6  }
0xc: {  	s4 =	sadd.s32 $0x71200, s6;
	s6 =	sor.u32 $0x1C02, s30;
	s7 =	sadd.s32 $0x84C00, s8  }
0xd: {  	s8 =	smax.u32 s9, $0x1;
	s9 =	sadd.s32 $0x2E00, s10;
	s10 =	sadd.s32 $0x17400, s10  }
.LBB2_1:
0xe: {  	[spmem:s11], [sflag:s6] =	dma.local [hbm:s5], $0x1400  }
0xf: {  	_ =	swait.ge [sflag:s12], $0x1400  }
0x10: {  	[sflag:s12] =	ssyncset.done $0x0  }
0x11: {  	[sflag:s12] =	ssyncadd.s32 $0xFFFFEC00  }
0x12: {  	s17 =	sadd.s32 $0x0, s10;
	[bflag:$0x0] =	sbarrier.arrive $0xFFFF  }
0x13: {  	[tilespmem:s3], [sflag:$0x2] =	stream.linear.gather [hbm4b:s17+s3], $0x80, $0x38;
	[tilespmem:$0xC100] =	vst v63  }
0x14: {  	_ =	swait.ge [sflag:s12], $0x80  }
0x15: {  	[sflag:s12] =	ssyncset.done $0x0  }
0x16: {  	s31 =	sadd.s32 $0x0, s9;
	[sflag:s12] =	ssyncadd.s32 $0xFFFFFF80  }
0x17: {  	[tilespmem:s13], [sflag:$0x2] =	stream.linear.gather [hbm4b:s31+s3], $0x80, $0x38;
	[tilespmem:$0xC100] =	vst v63  }
0x18: {  	_ =	swait.ge [sflag:s12], $0x80  }
0x19: {  	[sflag:s12] =	ssyncset.done $0x0  }
0x1a: {  	[sflag:s12] =	ssyncadd.s32 $0xFFFFFF80  }
0x1b: {  	[tilespmem:s14], [sflag:$0x1] =	stream.indirect.gather [hbm4b:s4+s13], $0x40, s3, s13, $0xb8;
	[tilespmem:$0xC100] =	vst v63  }
0x1c: {  	_ =	swait.ge [sflag:s15], $0x2000  }
0x1d: {  	[sflag:s15] =	ssyncset.done $0x0  }
0x1e: {  	[sflag:s15] =	ssyncadd.s32 $0xFFFFE000  }
0x1f: {  	[spmem:s2] =	stream.indirect.scatter.add.f32 [tilespmem:s14], [sflag:$0x2], $0x40, s13, s13, $0xb8;
	[tilespmem:$0xC100] =	vst v63  }
0x20: {  	_ =	swait.ge [sflag:s12], $0x2000  }
0x21: {  	s18 =	simm.s32 $0x20;
	s17 =	simm.s32 $0x10;
	[sflag:s12] =	ssyncset.done $0x0  }
.LBB2_2:
0x22: {  	s19 =	sadd.s32 s17, s10  }
0x23: {  	[sflag:s12] =	ssyncadd.s32 $0xFFFFE000;
	s20 =	smov.u32 s18;
	s21 =	sadd.s32 $0x10, s18  }
0x24: {  	[tilespmem:s3], [sflag:$0x2] =	stream.linear.gather [hbm4b:s19+s3], $0x80, $0x38;
	[tilespmem:$0xC100] =	vst v63  }
0x25: {  	p0 =	sne.s32 s18, $0x4E0;
	_ =	swait.ge [sflag:s12], $0x80  }
0x26: {  	[sflag:s12] =	ssyncset.done $0x0  }
0x27: {  	s18 =	sadd.s32 s17, s9;
	s17 =	smov.u32 s20;
	[sflag:s12] =	ssyncadd.s32 $0xFFFFFF80  }
0x28: {  	[tilespmem:s13], [sflag:$0x2] =	stream.linear.gather [hbm4b:s18+s3], $0x80, $0x38;
	[tilespmem:$0xC100] =	vst v63  }
0x29: {  	_ =	swait.ge [sflag:s12], $0x80  }
0x2a: {  	[sflag:s12] =	ssyncset.done $0x0  }
0x2b: {  	[sflag:s12] =	ssyncadd.s32 $0xFFFFFF80  }
0x2c: {  	[tilespmem:s14], [sflag:$0x1] =	stream.indirect.gather [hbm4b:s4+s13], $0x40, s3, s13, $0xb8;
	[tilespmem:$0xC100] =	vst v63  }
0x2d: {  	_ =	swait.ge [sflag:s15], $0x2000  }
.Ltmp0:
0x2e: {  	[sflag:s15] =	ssyncset.done $0x0;
	(pc) =	sbr.rel @p0 .LBB2_2-.Ltmp0, $4  }
0x2f: {  	[sflag:s15] =	ssyncadd.s32 $0xFFFFE000  }
0x30: {  	[spmem:s2] =	stream.indirect.scatter.add.f32 [tilespmem:s14], [sflag:$0x2], $0x40, s13, s13, $0xb8;
	[tilespmem:$0xC100] =	vst v63  }
0x31: {  	_ =	swait.ge [sflag:s12], $0x2000  }
0x32: {  	s18 =	smov.u32 s21;
	[sflag:s12] =	ssyncset.done $0x0  }
0x33: {  	s18 =	sadd.s32 s17, s10;
	[sflag:s12] =	ssyncadd.s32 $0xFFFFE000  }
0x34: {  	[tilespmem:s3], [sflag:$0x2] =	stream.linear.gather [hbm4b:s18+s3], $0x80, $0x38;
	[tilespmem:$0xC100] =	vst v63  }
0x35: {  	_ =	swait.ge [sflag:s12], $0x80  }
0x36: {  	[sflag:s12] =	ssyncset.done $0x0  }
0x37: {  	s31 =	sadd.s32 s17, s9;
	[sflag:s12] =	ssyncadd.s32 $0xFFFFFF80  }
0x38: {  	[tilespmem:s13], [sflag:$0x2] =	stream.linear.gather [hbm4b:s31+s3], $0x80, $0x38;
	[tilespmem:$0xC100] =	vst v63  }
0x39: {  	_ =	swait.ge [sflag:s12], $0x80  }
0x3a: {  	[sflag:s12] =	ssyncset.done $0x0  }
0x3b: {  	[sflag:s12] =	ssyncadd.s32 $0xFFFFFF80  }
0x3c: {  	[tilespmem:s14], [sflag:$0x1] =	stream.indirect.gather [hbm4b:s4+s13], $0x40, s3, s13, $0xb8;
	[tilespmem:$0xC100] =	vst v63  }
0x3d: {  	_ =	swait.ge [sflag:s15], $0x2000  }
0x3e: {  	[sflag:s15] =	ssyncset.done $0x0  }
0x3f: {  	[sflag:s15] =	ssyncadd.s32 $0xFFFFE000  }
0x40: {  	[spmem:s2] =	stream.indirect.scatter.add.f32 [tilespmem:s14], [sflag:$0x2], $0x40, s13, s13, $0xb8;
	[tilespmem:$0xC100] =	vst v63  }
0x41: {  	_ =	swait.ge [sflag:s12], $0x2000  }
0x42: {  	s16 =	sadd.s32 $0x1, s16;
	[sflag:s12] =	ssyncset.done $0x0  }
0x43: {  	p0 =	sne.s32 s16, s8;
	[sflag:s12] =	ssyncadd.s32 $0xFFFFE000  }
.Ltmp1:
0x44: {  	[bflag:$0x0] =	sbarrier.arrive $0xFFFF;
	(pc) =	sbr.rel @p0 .LBB2_1-.Ltmp1, $4  }
0x45: {  	[hbm:s7], [sflag:s6] =	dma.local [spmem:s11], $0x1400  }
0x46: {  	_ =	swait.ge [sflag:s12], $0x1400  }
0x47: {  	[sflag:s12] =	ssyncset.done $0x0  }
0x48: {  	[sflag:s12] =	ssyncadd.s32 $0xFFFFEC00  }
0x49: {  	_ =	sfence.sel $0x180000  }
0x4a: {  	[bflag:$0x0] =	sbarrier.arrive $0xFFFF  }
0x4b: {  	p0 =	sne.s32 s0, $0x0;
	_ =	strace $0x9000004D  }
0x4c: {  	s0 =	sadd.s32 @!p0 $0x100000, s1;
	[bflag:$0x2] =	sbarrier.arrive $0xFFFF  }
0x4d: {  	[sflag:s0] =	ssyncadd.tile.s32 @!p0 $0x1;
	_ =	shalt  }
.Lfunc_end2:
_tile_overlayer_lowered:
.L_overlay_start_2:
0x4e: {  	(tag) =	ssettag $0x2  }
0x4f: {  	s0 =	rddreg [dreg:$0x0];
	s2 =	stileid.u32  }
0x50: {  	s1 =	rddreg [dreg:$0x1];
	p0 =	sne.s32 s2, $0x0  }
0x51: {  	s3 =	rddreg [dreg:$0x2];
	[bflag:$0x3] =	sbarrier.arrive $0xFFFF;
	s2 =	simm.s32 @!p0 $0x1C02  }
0x52: {  	[timem:s3], [sflag:s2] =	dma.local @!p0 [hbm:s0], s1  }
0x53: {  	s0 =	simm.s32 @!p0 $0x2  }
0x54: {  	_ =	swait.ge @!p0 [sflag:s0], s1  }
0x55: {  	s1 =	ssub.s32 @!p0 $0x0, s1;
	[sflag:s0] =	ssyncset.done @!p0 $0x0  }
0x56: {  	[sflag:s0] =	ssyncadd.s32 @!p0 s1  }
0x57: {  	[bflag:$0x3] =	sbarrier.arrive $0xFFFF  }
0x58: {  	_ =	shalt  }

// kernel: kernel.19.cloned.1.call-start
scs
__scs_entry_jumppad:
0x0: {  	(pc) =	sbr.rel $0x88, $3  }
0x1: {  	(tag) =	ssettag $0x0;
	lr =	simm.s32 $0x1  }
0x2: {  	[smem:$0x3F97] =	sst lr;
	_ =	strace $0xD0000000  }
0x3: {  	_ = 	snop  }
0x4: {  	_ = 	snop  }
0x5: {  	_ = 	snop  }
0x6: {  	_ = 	snop  }
0x7: {  	_ = 	snop  }
__scs_overlays_trampoline_lowered:
0x8: {  	[smem:$0x3FA6] =	sst s0  }
0x9: {  	[smem:$0x3FA7] =	sst s1  }
0xa: {  	[smem:$0x3FA8] =	sst s2  }
0xb: {  	[smem:$0x3FA9] =	sst s3  }
0xc: {  	[smem:$0x3FAA] =	sst s4  }
0xd: {  	[smem:$0x3FAB] =	sst s5  }
0xe: {  	[smem:$0x3FAC] =	sst s6  }
0xf: {  	[smem:$0x3FAD] =	sst s7  }
0x10: {  	[smem:$0x3FAE] =	sst s8  }
0x11: {  	[smem:$0x3FAF] =	sst s9;
	s0 =	simm.s32 @!p0 $0x0  }
0x12: {  	s1 =	sld [smem:$0x3F95];
	s0 =	simm.s32 @p0 $0x1  }
0x13: {  	[smem:$0x3FB0] =	sst s0;
	s0 =	simm.s32 @!p1 $0x0  }
0x14: {  	s2 =	sld [smem:$0x3F94];
	s0 =	simm.s32 @p1 $0x1  }
0x15: {  	[smem:$0x3FB1] =	sst s0;
	s0 =	simm.s32 @!p2 $0x0  }
0x16: {  	s3 =	sld [smem:$0x3FDB];
	s0 =	simm.s32 @p2 $0x1  }
0x17: {  	s4 =	simm.s32 $0x1BF5;
	[smem:$0x3FB3] =	sst s0  }
0x18: {  	s0 =	sld [smem:$0x3F96];
	_ =	swait.ge [sflag:s4], $0x0  }
0x19: {  	s7 =	sld [smem:$0x3F97]  }
0x1a: {  	s8 =	sadd.s32 $0xFFFFE003, lr  }
0x1b: {  	s9 =	sadd.s32 $0xFFFFFEF7, lr;
	s5 =	simm.s32 $0xFFFFFFFF;
	p2 =	slt.u32 s8, $0xFFFFF086  }
0x1c: {  	p1 =	slt.u32 s9, $0xF7A;
	s5 =	simm.s32 @!p2 $0x0  }
0x1d: {  	s5 =	simm.s32 @p1 $0x1;
	p0 =	seq.s32 s7, s2  }
0x1e: {  	s7 =	smul.u32 @!p0 $0xF7A, s2;
	p2 =	seq.s32 @!p0 s5, $0x0  }
0x1f: {  	s9 =	smul.u32 $0xF7A, s1;
	s8 =	simm.s32 @!p0 $0x1BF5;
	p2 =	por !p2, p0  }
0x20: {  	[sflag:s8] =	ssyncset.s32 @!p0 $0xFFFFF086;
	s6 =	sadd.s32 @!p0 s3, s7;
	s7 =	simm.s32 @!p0 $0x108  }
0x21: {  	s3 =	sadd.s32 s3, s9;
	s6 =	sadd.s32 @!p0 $0x88, s6;
	s7 =	simm.s32 @p2 $0x1082  }
0x22: {  	[simem:s7], [sflag:s8] =	dma.local @!p0 [hbm:s6], $0xF7A  }
0x23: {  	s9 =	sor.u32 $0xD0000000, s2;
	s6 =	simm.s32 $0x108;
	_ =	swait.ge @!p0 [sflag:s8], $0x0  }
0x24: {  	s3 =	sadd.s32 $0x88, s3;
	s6 =	simm.s32 @!p1 $0x1082;
	[sflag:s4] =	ssyncset.s32 $0xFFFFF086  }
0x25: {  	[simem:s6], [sflag:s4] =	dma.local [hbm:s3], $0xF7A  }
0x26: {  	[smem:$0x3F97] =	sst s1;
	(tag) =	ssettag s2;
	_ =	strace s9  }
0x27: {  	s1 =	sld [smem:$0x3FA7]  }
0x28: {  	s2 =	sld [smem:$0x3FA8]  }
0x29: {  	s4 =	sld [smem:$0x3FAA]  }
0x2a: {  	p0 =	seq.s32 s5, $0x0;
	s5 =	sld [smem:$0x3FAB]  }
0x2b: {  	s6 =	sld [smem:$0x3FAC]  }
0x2c: {  	s7 =	sld [smem:$0x3FAD]  }
0x2d: {  	s3 =	simm.s32 $0x108;
	s8 =	sld [smem:$0x3FAE]  }
0x2e: {  	s3 =	simm.s32 @!p0 $0x1082;
	s9 =	sld [smem:$0x3FAF]  }
0x2f: {  	lr =	sadd.s32 s0, s3;
	s0 =	sld [smem:$0x3FA6]  }
0x30: {  	s3 =	sld [smem:$0x3FA9]  }
0x31: {  	[smem:$0x3FB2] =	sst s10  }
0x32: {  	s10 =	sld [smem:$0x3FB0];
	_ =	sdelay $0x3  }
0x33: {  	p0 =	seq.s32 s10, $0x1;
	s10 =	sld [smem:$0x3FB2];
	_ =	sdelay $0x3  }
0x34: {  	[smem:$0x3FB2] =	sst s10  }
0x35: {  	s10 =	sld [smem:$0x3FB1];
	_ =	sdelay $0x3  }
0x36: {  	p1 =	seq.s32 s10, $0x1;
	s10 =	sld [smem:$0x3FB2];
	_ =	sdelay $0x3  }
0x37: {  	[smem:$0x3FB2] =	sst s10  }
0x38: {  	s10 =	sld [smem:$0x3FB3]  }
0x39: {  	_ = 	snop;
	(pc) =	sbr.ind lr, $3  }
0x3a: {  	_ = 	snop  }
0x3b: {  	_ = 	snop  }
0x3c: {  	p2 =	seq.s32 s10, $0x1;
	s10 =	sld [smem:$0x3FB2]  }
0x3d: {  	_ =	shalt  }
0x3e: {  	_ =	shalt  }
0x3f: {  	_ =	shalt  }
0x40: {  	_ =	shalt  }
0x41: {  	_ =	shalt  }
0x42: {  	_ =	shalt  }
0x43: {  	_ =	shalt  }
0x44: {  	_ =	shalt  }
0x45: {  	_ =	shalt  }
0x46: {  	_ =	shalt  }
0x47: {  	_ =	shalt  }
0x48: {  	_ =	shalt  }
0x49: {  	_ =	shalt  }
0x4a: {  	_ =	shalt  }
0x4b: {  	_ =	shalt  }
0x4c: {  	_ =	shalt  }
0x4d: {  	_ =	shalt  }
0x4e: {  	_ =	shalt  }
0x4f: {  	_ =	shalt  }
0x50: {  	_ =	shalt  }
0x51: {  	_ =	shalt  }
0x52: {  	_ =	shalt  }
0x53: {  	_ =	shalt  }
0x54: {  	_ =	shalt  }
0x55: {  	_ =	shalt  }
0x56: {  	_ =	shalt  }
0x57: {  	_ =	shalt  }
0x58: {  	_ =	shalt  }
0x59: {  	_ =	shalt  }
0x5a: {  	_ =	shalt  }
0x5b: {  	_ =	shalt  }
0x5c: {  	_ =	shalt  }
0x5d: {  	_ =	shalt  }
0x5e: {  	_ =	shalt  }
0x5f: {  	_ =	shalt  }
0x60: {  	_ =	shalt  }
0x61: {  	_ =	shalt  }
0x62: {  	_ =	shalt  }
0x63: {  	_ =	shalt  }
0x64: {  	_ =	shalt  }
0x65: {  	_ =	shalt  }
0x66: {  	_ =	shalt  }
0x67: {  	_ =	shalt  }
0x68: {  	_ =	shalt  }
0x69: {  	_ =	shalt  }
0x6a: {  	_ =	shalt  }
0x6b: {  	_ =	shalt  }
0x6c: {  	_ =	shalt  }
0x6d: {  	_ =	shalt  }
0x6e: {  	_ =	shalt  }
0x6f: {  	_ =	shalt  }
0x70: {  	_ =	shalt  }
0x71: {  	_ =	shalt  }
0x72: {  	_ =	shalt  }
0x73: {  	_ =	shalt  }
0x74: {  	_ =	shalt  }
0x75: {  	_ =	shalt  }
0x76: {  	_ =	shalt  }
0x77: {  	_ =	shalt  }
0x78: {  	_ =	shalt  }
0x79: {  	_ =	shalt  }
0x7a: {  	_ =	shalt  }
0x7b: {  	_ =	shalt  }
0x7c: {  	_ =	shalt  }
0x7d: {  	_ =	shalt  }
0x7e: {  	_ =	shalt  }
0x7f: {  	_ =	shalt  }
0x80: {  	_ =	shalt  }
0x81: {  	_ =	shalt  }
0x82: {  	_ =	shalt  }
0x83: {  	_ =	shalt  }
0x84: {  	_ =	shalt  }
0x85: {  	_ =	shalt  }
0x86: {  	_ =	shalt  }
0x87: {  	_ =	shalt  }
.Lfunc_end0:
.L_simem_size_0:
called_computation.3_lowered:
.L_overlay_start_0:
0x88: {  	s2 =	sld [smem:$0x3FD9]  }
0x89: {  	s3 =	sld [smem:$0x3FFE];
	_ =	sdelay $0x1  }
0x8a: {  	s1 =	srdreg.scid  }
0x8b: {  	s0 =	sand.u32 $0x1, s1  }
0x8c: {  	s16 =	sshll.u32 s0, $0xA;
	s2 =	sadd.s32 s3, s2  }
0x8d: {  	s2 =	sadd.s32 s2, s16  }
0x8e: {  	[smem:$0x3FBE] =	sst s2  }
0x8f: {  	_ = 	snop  }
0x90: {  	(tm) =	ssettm $0x1  }
0x91: {  	s17 =	sld [smem:$0x3FFB];
	_ =	sdelay $0x3  }
0x92: {  	_ =	strace s17  }
0x93: {  	s2 =	sld [smem:$0x3FFC];
	_ =	sdelay $0x3  }
0x94: {  	_ =	strace s2  }
0x95: {  	s2 =	sld [smem:$0x3FFD];
	_ =	sdelay $0x3  }
0x96: {  	_ =	strace s2  }
0x97: {  	_ =	strace $0x8FFFFFFF  }
0x98: {  	s18 =	sld [smem:$0x3FDB];
	_ =	sdelay $0x1  }
0x99: {  	s19 =	simm.s32 $_scs_section_size  }
0x9a: {  	s4 =	simm.s32 $_size__tile_overlayer_lowered;
	s5 =	simm.s32 $_tile_overlayer_lowered  }
0x9b: {  	s22 =	simm.s32 $0x1BFF;
	s21 =	sshll.u32 s5, $0x1;
	s2 =	sadd.s32 s19, s18  }
0x9c: {  	s6 =	simm.s32 $0x0;
	s20 =	sshll.u32 s4, $0x1;
	s4 =	sadd.s32 s21, s2  }
0x9d: {  	[timem:s6], [sflag:s22] =	dma.local [hbm:s4], s20  }
0x9e: {  	_ =	swait.ge [sflag:s22], s20  }
0x9f: {  	s3 =	ssub.s32 $0x0, s20;
	[sflag:s22] =	ssyncset.done $0x0  }
0xa0: {  	[sflag:s22] =	ssyncadd.s32 s3;
	_ =	sdelay $0x1  }
0xa1: {  	s23 =	simm.s32 $0x1B8B  }
0xa2: {  	_ =	swait.ge [sflag:s23], $0x1  }
0xa3: {  	[sflag:s23] =	ssyncset.done $0x0  }
0xa4: {  	s25 =	simm.s32 $0x1B8E;
	s24 =	sld [smem:$0x3FFE];
	[sflag:s23] =	ssyncadd.s32 $0xFFFFFFFF  }
0xa5: {  	s26 =	simm.s32 $execute0_lowered;
	[smem:$0x3FD2] =	sst s25  }
0xa6: {  	s4 =	sshll.u32 s26, $0x1;
	_ =	strace $0x8000004F;
	[dreg:$0x1] =	wrdreg $0xFFFFFFFF  }
0xa7: {  	s28 =	simm.s32 $_size_execute0_lowered;
	s2 =	sadd.s32 s2, s4;
	[dreg:$0x0] =	wrdreg $0x0  }
0xa8: {  	s4 =	sshll.u32 s28, $0x1;
	[dreg:$0x2] =	wrdreg s2  }
0xa9: {  	[dreg:$0x3] =	wrdreg s4  }
0xaa: {  	[dreg:$0x4] =	wrdreg $0xC0  }
0xab: {  	_ =	task [dreg:s6], $0x5FFFF  }
0xac: {  	[dreg:$0x1] =	wrdreg $0xFFFFFFFF  }
0xad: {  	[dreg:$0x0] =	wrdreg $0x60  }
0xae: {  	[dreg:$0x2] =	wrdreg s24  }
0xaf: {  	[dreg:$0x3] =	wrdreg $0x11000  }
0xb0: {  	[dreg:$0x4] =	wrdreg $0x9  }
0xb1: {  	_ =	task.clear_ibuf [dreg:s6], $0x5FFFF;
	_ =	strace $0x9000004F  }
0xb2: {  	s29 =	simm.s32 $0x9;
	_ =	strace $0x80000051  }
0xb3: {  	_ =	swait.ge [sflag:s29], $0x1  }
0xb4: {  	[sflag:s29] =	ssyncadd.s32 $0xFFFFFFFF  }
0xb5: {  	_ =	strace $0x90000051  }
0xb6: {  	_ =	sfence  }
0xb7: {  	s30 =	sld [smem:$0x0];
	_ =	sdelay $0x2  }
0xb8: {  	s31 =	sshll.u32 s1, $0xD;
	s1 =	sshrl.u32 s1, $0x2  }
0xb9: {  	s3 =	sand.u32 $0x4000, s31;
	s1 =	sadd.s32 s1, s30  }
0xba: {  	s0 =	sor.u32 s3, s0;
	s1 =	sshll.u32 s1, $0x11  }
0xbb: {  	s0 =	sor.u32 s1, s0  }
0xbc: {  	s0 =	sadd.s32 $0x8F2B, s0  }
0xbd: {  	[sflag:s0] =	ssyncadd.remote.s32 $0x1  }
0xbe: {  	_ =	sfence.sel $0xFFFF  }
0xbf: {  	[dreg:$0x0] =	wrdreg $0xFFFFFFFF;
	(pc) =	sbr.abs _section_cstart, $3  }
0xc0: {  	[dreg:$0x1] =	wrdreg $0xFFFFFFFF  }
0xc1: {  	_ =	task.clear_ibuf [dreg:s6], $0x2FFFF;
	_ =	strace $0x9FFFFFFF  }
0xc2: {  	(tm) =	ssettm $0x7FFFFFFF  }
0xc3: {  	_ =	shalt  }
tec
execute0_lowered:
.L_overlay_start_1:
0x0: {  	(tag) =	ssettag $0x1  }
0x1: {  	s1 =	srdreg.scid;
	s6 =	rddreg [dreg:$0x0]  }
0x2: {  	s0 =	stileid.u32;
	s2 =	rddreg [dreg:$0x1]  }
0x3: {  	s3 =	simm.s32 $0x0;
	s12 =	simm.s32 $0x2;
	s13 =	simm.s32 $0x80  }
0x4: {  	s14 =	simm.s32 $0x100;
	s15 =	simm.s32 $0x1;
	s4 =	smul.u32 $0x4F00, s0  }
0x5: {  	s5 =	sand.u32 $0x1, s1;
	s1 =	rddreg [dreg:$0x2];
	s29 =	smul.u32 $0x5000, s0  }
0x6: {  	s16 =	simm.s32 $0x0;
	[smem:$0x7FF] =	sst s3;
	s7 =	smul.u32 $0x2780, s5  }
0x7: {  	s30 =	sshll.u32 s0, $0x6;
	s8 =	smul.u32 $0x50000, s5;
	s9 =	ssub.s32 $0x2, s5  }
0x8: {  	_ =	strace $0x80000050;
	s5 =	sadd.s32 $0x16A00, s6;
	s11 =	sshrl.u32 s9, $0x1  }
0x9: {  	s31 =	sadd.s32 s29, s2;
	s4 =	sadd.s32 s7, s4;
	s8 =	sadd.s32 s29, s8  }
0xa: {  	s9 =	ssub.s32 s9, s11;
	s4 =	sshrl.u32 s4, $0x3;
	s8 =	sshrl.u32 s8, $0x3  }
0xb: {  	s11 =	sshrl.u32 s31, $0x3;
	s10 =	sadd.s32 s4, s6;
	s8 =	sadd.s32 s8, s6  }
0xc: {  	s4 =	sadd.s32 $0xCC00, s6;
	s6 =	sor.u32 $0x1C02, s30;
	s7 =	sadd.s32 $0x71200, s8  }
0xd: {  	s8 =	smax.u32 s9, $0x1;
	s9 =	sadd.s32 $0x2E00, s10;
	s10 =	sadd.s32 $0x17400, s10  }
.LBB2_1:
0xe: {  	[spmem:s11], [sflag:s6] =	dma.local [hbm:s5], $0xA00  }
0xf: {  	_ =	swait.ge [sflag:s12], $0xA00  }
0x10: {  	[sflag:s12] =	ssyncset.done $0x0  }
0x11: {  	[sflag:s12] =	ssyncadd.s32 $0xFFFFF600  }
0x12: {  	s17 =	sadd.s32 $0x0, s10;
	[bflag:$0x0] =	sbarrier.arrive $0xFFFF  }
0x13: {  	[tilespmem:s3], [sflag:$0x2] =	stream.linear.gather [hbm4b:s17+s3], $0x80, $0x38;
	[tilespmem:$0x6100] =	vst v63  }
0x14: {  	_ =	swait.ge [sflag:s12], $0x80  }
0x15: {  	[sflag:s12] =	ssyncset.done $0x0  }
0x16: {  	s31 =	sadd.s32 $0x0, s9;
	[sflag:s12] =	ssyncadd.s32 $0xFFFFFF80  }
0x17: {  	[tilespmem:s13], [sflag:$0x2] =	stream.linear.gather [hbm4b:s31+s3], $0x80, $0x38;
	[tilespmem:$0x6100] =	vst v63  }
0x18: {  	_ =	swait.ge [sflag:s12], $0x80  }
0x19: {  	[sflag:s12] =	ssyncset.done $0x0  }
0x1a: {  	[sflag:s12] =	ssyncadd.s32 $0xFFFFFF80  }
0x1b: {  	[tilespmem:s14], [sflag:$0x1] =	stream.indirect.gather [hbm4b:s4+s13], $0x20, s3, s13, $0xb8;
	[tilespmem:$0x6100] =	vst v63  }
0x1c: {  	_ =	swait.ge [sflag:s15], $0x1000  }
0x1d: {  	[sflag:s15] =	ssyncset.done $0x0  }
0x1e: {  	[sflag:s15] =	ssyncadd.s32 $0xFFFFF000  }
0x1f: {  	[spmem:s2] =	stream.indirect.scatter.add.f32 [tilespmem:s14], [sflag:$0x2], $0x20, s13, s13, $0xb8;
	[tilespmem:$0x6100] =	vst v63  }
0x20: {  	_ =	swait.ge [sflag:s12], $0x1000  }
0x21: {  	s18 =	simm.s32 $0x20;
	s17 =	simm.s32 $0x10;
	[sflag:s12] =	ssyncset.done $0x0  }
.LBB2_2:
0x22: {  	s19 =	sadd.s32 s17, s10  }
0x23: {  	[sflag:s12] =	ssyncadd.s32 $0xFFFFF000;
	s20 =	smov.u32 s18;
	s21 =	sadd.s32 $0x10, s18  }
0x24: {  	[tilespmem:s3], [sflag:$0x2] =	stream.linear.gather [hbm4b:s19+s3], $0x80, $0x38;
	[tilespmem:$0x6100] =	vst v63  }
0x25: {  	p0 =	sne.s32 s18, $0x4E0;
	_ =	swait.ge [sflag:s12], $0x80  }
0x26: {  	[sflag:s12] =	ssyncset.done $0x0  }
0x27: {  	s18 =	sadd.s32 s17, s9;
	s17 =	smov.u32 s20;
	[sflag:s12] =	ssyncadd.s32 $0xFFFFFF80  }
0x28: {  	[tilespmem:s13], [sflag:$0x2] =	stream.linear.gather [hbm4b:s18+s3], $0x80, $0x38;
	[tilespmem:$0x6100] =	vst v63  }
0x29: {  	_ =	swait.ge [sflag:s12], $0x80  }
0x2a: {  	[sflag:s12] =	ssyncset.done $0x0  }
0x2b: {  	[sflag:s12] =	ssyncadd.s32 $0xFFFFFF80  }
0x2c: {  	[tilespmem:s14], [sflag:$0x1] =	stream.indirect.gather [hbm4b:s4+s13], $0x20, s3, s13, $0xb8;
	[tilespmem:$0x6100] =	vst v63  }
0x2d: {  	_ =	swait.ge [sflag:s15], $0x1000  }
.Ltmp0:
0x2e: {  	[sflag:s15] =	ssyncset.done $0x0;
	(pc) =	sbr.rel @p0 .LBB2_2-.Ltmp0, $4  }
0x2f: {  	[sflag:s15] =	ssyncadd.s32 $0xFFFFF000  }
0x30: {  	[spmem:s2] =	stream.indirect.scatter.add.f32 [tilespmem:s14], [sflag:$0x2], $0x20, s13, s13, $0xb8;
	[tilespmem:$0x6100] =	vst v63  }
0x31: {  	_ =	swait.ge [sflag:s12], $0x1000  }
0x32: {  	s18 =	smov.u32 s21;
	[sflag:s12] =	ssyncset.done $0x0  }
0x33: {  	s18 =	sadd.s32 s17, s10;
	[sflag:s12] =	ssyncadd.s32 $0xFFFFF000  }
0x34: {  	[tilespmem:s3], [sflag:$0x2] =	stream.linear.gather [hbm4b:s18+s3], $0x80, $0x38;
	[tilespmem:$0x6100] =	vst v63  }
0x35: {  	_ =	swait.ge [sflag:s12], $0x80  }
0x36: {  	[sflag:s12] =	ssyncset.done $0x0  }
0x37: {  	s31 =	sadd.s32 s17, s9;
	[sflag:s12] =	ssyncadd.s32 $0xFFFFFF80  }
0x38: {  	[tilespmem:s13], [sflag:$0x2] =	stream.linear.gather [hbm4b:s31+s3], $0x80, $0x38;
	[tilespmem:$0x6100] =	vst v63  }
0x39: {  	_ =	swait.ge [sflag:s12], $0x80  }
0x3a: {  	[sflag:s12] =	ssyncset.done $0x0  }
0x3b: {  	[sflag:s12] =	ssyncadd.s32 $0xFFFFFF80  }
0x3c: {  	[tilespmem:s14], [sflag:$0x1] =	stream.indirect.gather [hbm4b:s4+s13], $0x20, s3, s13, $0xb8;
	[tilespmem:$0x6100] =	vst v63  }
0x3d: {  	_ =	swait.ge [sflag:s15], $0x1000  }
0x3e: {  	[sflag:s15] =	ssyncset.done $0x0  }
0x3f: {  	[sflag:s15] =	ssyncadd.s32 $0xFFFFF000  }
0x40: {  	[spmem:s2] =	stream.indirect.scatter.add.f32 [tilespmem:s14], [sflag:$0x2], $0x20, s13, s13, $0xb8;
	[tilespmem:$0x6100] =	vst v63  }
0x41: {  	_ =	swait.ge [sflag:s12], $0x1000  }
0x42: {  	s16 =	sadd.s32 $0x1, s16;
	[sflag:s12] =	ssyncset.done $0x0  }
0x43: {  	p0 =	sne.s32 s16, s8;
	[sflag:s12] =	ssyncadd.s32 $0xFFFFF000  }
.Ltmp1:
0x44: {  	[bflag:$0x0] =	sbarrier.arrive $0xFFFF;
	(pc) =	sbr.rel @p0 .LBB2_1-.Ltmp1, $4  }
0x45: {  	[hbm:s7], [sflag:s6] =	dma.local [spmem:s11], $0xA00  }
0x46: {  	_ =	swait.ge [sflag:s12], $0xA00  }
0x47: {  	[sflag:s12] =	ssyncset.done $0x0  }
0x48: {  	[sflag:s12] =	ssyncadd.s32 $0xFFFFF600  }
0x49: {  	_ =	sfence.sel $0x180000  }
0x4a: {  	[bflag:$0x0] =	sbarrier.arrive $0xFFFF  }
0x4b: {  	p0 =	sne.s32 s0, $0x0;
	_ =	strace $0x90000050  }
0x4c: {  	s0 =	sadd.s32 @!p0 $0x100000, s1;
	[bflag:$0x2] =	sbarrier.arrive $0xFFFF  }
0x4d: {  	[sflag:s0] =	ssyncadd.tile.s32 @!p0 $0x1;
	_ =	shalt  }
.Lfunc_end2:
_tile_overlayer_lowered:
.L_overlay_start_2:
0x4e: {  	(tag) =	ssettag $0x2  }
0x4f: {  	s0 =	rddreg [dreg:$0x0];
	s2 =	stileid.u32  }
0x50: {  	s1 =	rddreg [dreg:$0x1];
	p0 =	sne.s32 s2, $0x0  }
0x51: {  	s3 =	rddreg [dreg:$0x2];
	[bflag:$0x3] =	sbarrier.arrive $0xFFFF;
	s2 =	simm.s32 @!p0 $0x1C02  }
0x52: {  	[timem:s3], [sflag:s2] =	dma.local @!p0 [hbm:s0], s1  }
0x53: {  	s0 =	simm.s32 @!p0 $0x2  }
0x54: {  	_ =	swait.ge @!p0 [sflag:s0], s1  }
0x55: {  	s1 =	ssub.s32 @!p0 $0x0, s1;
	[sflag:s0] =	ssyncset.done @!p0 $0x0  }
0x56: {  	[sflag:s0] =	ssyncadd.s32 @!p0 s1  }
0x57: {  	[bflag:$0x3] =	sbarrier.arrive $0xFFFF  }
0x58: {  	_ =	shalt  }

</sc_bundles>
